<compile_context>
chip_gen: v7x
topology: tpu7x:2x2x1
jax: 0.10.2.dev20260603
libtpu: 0.0.44.dev20260713+nightly
codegen_flags: <defaults>
</compile_context>

<pallas_src>
import functools

import jax
import jax.numpy as jnp
from jax import lax
from jax.experimental import pallas as pl
from jax.experimental.pallas import tpu as pltpu
from jax.experimental.pallas import tpu_sc as plsc

_SB = 128
_UA = 25
_SA = _SB * _UA
_BC = 2560
_GR = 128


def _cumsum_body(seg_ref, x_ref, wn_ref, out_ref, carry_ref, pseg_ref):
    i = pl.program_id(0)

    @pl.when(i == 0)
    def _():
        carry_ref[...] = jnp.zeros_like(carry_ref)
        pseg_ref[...] = jnp.full_like(pseg_ref, -1)

    seg_row = seg_ref[...]
    seg_t = jnp.transpose(seg_row)
    ii = lax.broadcasted_iota(jnp.int32, (_SB, _SB), 0)
    jj = lax.broadcasted_iota(jnp.int32, (_SB, _SB), 1)
    tri = jj <= ii
    wn = wn_ref[...].astype(jnp.bfloat16)
    xb = x_ref[...].astype(jnp.bfloat16)
    y = lax.dot_general(xb, wn, (((1,), (1,)), ((), ())),
                        preferred_element_type=jnp.float32)
    yb = y.astype(jnp.bfloat16)
    carrywn = carry_ref[...]
    prev = pseg_ref[...]
    for s in range(_UA):
        lo = s * _SB
        sr = seg_row[:, lo:lo + _SB]
        sc = seg_t[lo:lo + _SB, :]
        a = (tri & (sr >= sc)).astype(jnp.bfloat16)
        gw = lax.dot_general(a, yb[lo:lo + _SB, :],
                             (((1,), (0,)), ((), ())),
                             preferred_element_type=jnp.float32)
        mask = (sc == prev).astype(jnp.float32)
        g = gw + mask * carrywn
        out_ref[lo:lo + _SB, :] = g
        carrywn = g[_SB - 1:_SB, :]
        prev = sc[_SB - 1:_SB, :]
    carry_ref[...] = carrywn
    pseg_ref[...] = prev


def _segcumsum_matmul(x, seg32, w_neigh):
    e, d = x.shape
    nb = e // _SA
    return pl.pallas_call(
        _cumsum_body,
        grid=(nb,),
        in_specs=[
            pl.BlockSpec((1, _SA), lambda i: (0, i)),
            pl.BlockSpec((_SA, d), lambda i: (i, 0)),
            pl.BlockSpec((d, d), lambda i: (0, 0)),
        ],
        out_specs=pl.BlockSpec((_SA, d), lambda i: (i, 0)),
        out_shape=jax.ShapeDtypeStruct((e, d), jnp.float32),
        scratch_shapes=[pltpu.VMEM((1, d), jnp.float32),
                        pltpu.VMEM((1, 1), jnp.int32)],
        compiler_params=pltpu.CompilerParams(
            dimension_semantics=("arbitrary",)),
    )(seg32.reshape(1, e), x, w_neigh)


def _sc_gather(g, idx2):
    e, d = g.shape
    n_ops = idx2.shape[0]
    info = plsc.get_sparse_core_info()
    nc, ns = info.num_cores, info.num_subcores
    nw = nc * ns
    nring = 4
    iters = -(-n_ops // nw)
    iters = -(-iters // nring) * nring
    mesh = plsc.VectorSubcoreMesh(core_axis_name="c", subcore_axis_name="s")

    @functools.partial(
        pl.kernel,
        out_type=jax.ShapeDtypeStruct((e, d), jnp.float32),
        mesh=mesh,
        scratch_types=[
            pltpu.VMEM((nring, _GR), jnp.int32),
            [pltpu.VMEM((_GR, d), jnp.float32) for _ in range(nring)],
            [pltpu.SemaphoreType.DMA for _ in range(nring)],
        ],
    )
    def gather_k(g_hbm, idx_hbm, out_hbm, idx_v, rows, sems):
        wid = lax.axis_index("s") * nc + lax.axis_index("c")

        def start(op, b):
            @pl.when(op < n_ops)
            def _():
                pltpu.sync_copy(idx_hbm.at[op], idx_v.at[b])
                pltpu.async_copy(g_hbm.at[idx_v.at[b]], rows[b], sems[b])

        def drain(op, b):
            @pl.when(op < n_ops)
            def _():
                pltpu.make_async_copy(
                    g_hbm.at[pl.ds(0, _GR)], rows[b], sems[b]).wait()
                pltpu.sync_copy(rows[b], out_hbm.at[pl.ds(op * _GR, _GR)])

        for b in range(nring - 1):
            start(b * nw + wid, b)

        def step(k4, c):
            for b in range(nring):
                o = (nring * k4 + b) * nw + wid
                drain(o, b)
                start(o + (nring - 1) * nw, (b + nring - 1) % nring)
            return c

        lax.fori_loop(0, iters // nring, step, 0)

    return gather_k(g, idx2)


def _final_body(dst_ref, hg_ref, deg_ref, ws_ref, bs_ref, bn_ref, out_ref):
    scale = 1.0 / (jnp.transpose(deg_ref[...]) + 1.0)
    t = lax.dot_general(dst_ref[...].astype(jnp.bfloat16),
                        ws_ref[...].astype(jnp.bfloat16),
                        (((1,), (1,)), ((), ())),
                        preferred_element_type=jnp.float32)
    out_ref[...] = t + hg_ref[...] * scale + bs_ref[...] + bn_ref[...]


def _final(dst, hg, deg, w_self, b_self, b_neigh):
    e, d = dst.shape
    nb = e // _BC
    return pl.pallas_call(
        _final_body,
        grid=(nb,),
        in_specs=[
            pl.BlockSpec((_BC, d), lambda i: (i, 0)),
            pl.BlockSpec((_BC, d), lambda i: (i, 0)),
            pl.BlockSpec((1, _BC), lambda i: (0, i)),
            pl.BlockSpec((d, d), lambda i: (0, 0)),
            pl.BlockSpec((1, d), lambda i: (0, 0)),
            pl.BlockSpec((1, d), lambda i: (0, 0)),
        ],
        out_specs=pl.BlockSpec((_BC, d), lambda i: (i, 0)),
        out_shape=jax.ShapeDtypeStruct((e, d), jnp.float32),
        compiler_params=pltpu.CompilerParams(
            dimension_semantics=("parallel",)),
    )(dst, hg, deg.reshape(1, e), w_self, b_self.reshape(1, d),
      b_neigh.reshape(1, d))


def kernel(edge_src_feat, edge_dst_feat, dst_deg, W_self, b_self, W_neigh,
           b_neigh, segment_ids, dst_max_eid, current_layer):
    e, d = edge_src_feat.shape
    seg32 = segment_ids.astype(jnp.int32)
    g = _segcumsum_matmul(edge_src_feat, seg32, W_neigh)
    idx2 = dst_max_eid.astype(jnp.int32).reshape(e // _GR, _GR)
    hg = _sc_gather(g, idx2)
    return _final(edge_dst_feat, hg, dst_deg, W_self, b_self, b_neigh)

# --- scband reference (transcript-rebuilt; emitter-appended) ---
"""Pipeline reference for scband-fast-tsageconv-35227321762436 (READ-ONLY COPY).

The authoritative reference and input builder live on the scoring server;
editing this copy changes nothing except your own understanding.
"""

import jax, jax.numpy as jnp
import numpy as np

E = 320000
N = 10000
D = 128

def setup_inputs(seed: int = 0) -> dict:
    key = jax.random.key(seed)
    ks = jax.random.split(key, 9)
    edge_src_feat = jax.random.normal(ks[0], (E, D), dtype=jnp.float32)
    edge_dst_feat = jax.random.normal(ks[1], (E, D), dtype=jnp.float32)
    dst_deg = jax.random.uniform(ks[2], (E,), dtype=jnp.float32)
    segment_ids = jnp.sort(jax.random.randint(ks[3], (E,), 0, N)).astype(jnp.int64)
    dst_max_eid = jax.random.randint(ks[4], (E,), 0, E).astype(jnp.int64)
    W_self = jax.random.normal(ks[5], (D, D), dtype=jnp.float32) * (1.0 / np.sqrt(D))
    b_self = jnp.zeros((D,), dtype=jnp.float32)
    W_neigh = jax.random.normal(ks[6], (D, D), dtype=jnp.float32) * (1.0 / np.sqrt(D))
    b_neigh = jnp.zeros((D,), dtype=jnp.float32)
    return {
        'edge_src_feat': edge_src_feat,
        'edge_dst_feat': edge_dst_feat,
        'dst_deg': dst_deg,
        'W_self': W_self,
        'b_self': b_self,
        'W_neigh': W_neigh,
        'b_neigh': b_neigh,
        'segment_ids': segment_ids,
        'dst_max_eid': dst_max_eid,
        'current_layer': 1,
    }

def _segment_cumsum(h, seg):
    # inclusive cumsum within each dst-group (edges sorted by dst, time order = eid order)
    prefix = jnp.cumsum(h, axis=0)
    start = jnp.searchsorted(seg, seg, side='left')  # first edge index of each edge's group
    base = jnp.where((start > 0)[:, None], prefix[jnp.maximum(start - 1, 0)], 0.0)
    return prefix - base

def reference(edge_src_feat, edge_dst_feat, dst_deg, W_self, b_self, W_neigh, b_neigh, segment_ids, dst_max_eid, current_layer):
    # group_apply_edges(group_by='dst', cumsum over temporal edges) for aggregator 'mean'
    h_feat = _segment_cumsum(edge_src_feat, segment_ids)
    # h_neigh = g.edata['h_neigh'][g.edata['dst_max_eid']]
    h_neigh = jnp.take(h_feat, dst_max_eid, axis=0)
    mean_cof = dst_deg + 1.0
    h_neigh = h_neigh / mean_cof[:, None]
    rst = edge_dst_feat @ W_self.T + b_self + h_neigh @ W_neigh.T + b_neigh
    return rst

if __name__ == "__main__":
    import jax
    _d = setup_inputs()
    print(jax.jit(kernel)(*tuple(_d.values())))

</pallas_src>

<mosaic_0001>
#map = affine_map<(d0, d1) -> (0, 0)>
module attributes {stable_mosaic.version = 14 : i64} {
  func.func @gather_k(%arg0: i32, %arg1: i32, %arg2: memref<320000x128xf32, #tpu.memory_space<hbm>>, %arg3: memref<2500x128xi32, #tpu.memory_space<hbm>>, %arg4: memref<320000x128xf32, #tpu.memory_space<hbm>>, %arg5: memref<4x128xi32, #tpu.memory_space<vmem>>, %arg6: memref<128x128xf32, #tpu.memory_space<vmem>>, %arg7: memref<128x128xf32, #tpu.memory_space<vmem>>, %arg8: memref<128x128xf32, #tpu.memory_space<vmem>>, %arg9: memref<128x128xf32, #tpu.memory_space<vmem>>, %arg10: memref<!tpu.dma_semaphore, #tpu.memory_space<semaphore_mem>>, %arg11: memref<!tpu.dma_semaphore, #tpu.memory_space<semaphore_mem>>, %arg12: memref<!tpu.dma_semaphore, #tpu.memory_space<semaphore_mem>>, %arg13: memref<!tpu.dma_semaphore, #tpu.memory_space<semaphore_mem>>) attributes {dimension_semantics = [#tpu.dimension_semantics<core_parallel>, #tpu.dimension_semantics<subcore_parallel>], iteration_bounds = array<i64: 2, 16>, scalar_prefetch = 0 : i64, scratch_operands = 9 : i64, tpu.core_type = #tpu.core_type<sc_vector_subcore>, window_params = [{transform_indices = #map}, {transform_indices = #map}, {transform_indices = #map}]} {
    %mul3A = arith.constant 2 : i32
    %mul3A_0 = arith.muli %arg1, %mul3A : i32
    %add3A = arith.addi %mul3A_0, %arg0 : i32
    %add3A_1 = arith.constant 0 : i32
    %add3A_2 = arith.addi %add3A_1, %add3A : i32
    %lt3A = arith.constant 2500 : i32
    %lt3A_3 = arith.cmpi slt, %add3A_2, %lt3A : i32
    %convert_element_type3A = arith.extui %lt3A_3 : i1 to i32
    %cond3A = arith.constant 0 : i32
    %cond3A_4 = arith.cmpi ne, %convert_element_type3A, %cond3A : i32
    scf.if %cond3A_4 {
      %run_scoped3A = arith.constant 0 : i32
      "tpu.region"() ({
        %run_scoped3A_30 = tpu.sem_alloc : memref<!tpu.dma_semaphore, #tpu.memory_space<semaphore_mem>>
        %dma_start3A_31 = arith.constant 0 : i32
        %dma_start3A_32 = tpu.memref_slice %arg5[%run_scoped3A, %dma_start3A_31] : memref<4x128xi32, #tpu.memory_space<vmem>> -> memref<1x128xi32, #tpu.memory_space<vmem>>
        %dma_start3A_33 = tpu.memref_squeeze %dma_start3A_32 : memref<1x128xi32, #tpu.memory_space<vmem>> -> memref<128xi32, #tpu.memory_space<vmem>>
        %dma_start3A_34 = arith.constant 0 : i32
        %dma_start3A_35 = tpu.memref_slice %arg3[%add3A_2, %dma_start3A_34] : memref<2500x128xi32, #tpu.memory_space<hbm>> -> memref<1x128xi32, #tpu.memory_space<hbm>>
        %dma_start3A_36 = tpu.memref_squeeze %dma_start3A_35 : memref<1x128xi32, #tpu.memory_space<hbm>> -> memref<128xi32, #tpu.memory_space<hbm>>
        %dma_start3A_37 = arith.constant 0 : i32
        %dma_start3A_38 = tpu.memref_slice %arg5[%run_scoped3A, %dma_start3A_37] : memref<4x128xi32, #tpu.memory_space<vmem>> -> memref<1x128xi32, #tpu.memory_space<vmem>>
        %dma_start3A_39 = tpu.memref_squeeze %dma_start3A_38 : memref<1x128xi32, #tpu.memory_space<vmem>> -> memref<128xi32, #tpu.memory_space<vmem>>
        %dma_start3A_40 = arith.constant 0 : i32
        %dma_start3A_41 = tpu.memref_slice %arg3[%add3A_2, %dma_start3A_40] : memref<2500x128xi32, #tpu.memory_space<hbm>> -> memref<1x128xi32, #tpu.memory_space<hbm>>
        %dma_start3A_42 = tpu.memref_squeeze %dma_start3A_41 : memref<1x128xi32, #tpu.memory_space<hbm>> -> memref<128xi32, #tpu.memory_space<hbm>>
        tpu.enqueue_dma source(%dma_start3A_42 : memref<128xi32, #tpu.memory_space<hbm>>) target(%dma_start3A_39 : memref<128xi32, #tpu.memory_space<vmem>>) target_semaphore(%run_scoped3A_30 : memref<!tpu.dma_semaphore, #tpu.memory_space<semaphore_mem>>)
        %dma_wait3A = arith.constant 0 : i32
        %dma_wait3A_43 = tpu.memref_slice %arg5[%run_scoped3A, %dma_wait3A] : memref<4x128xi32, #tpu.memory_space<vmem>> -> memref<1x128xi32, #tpu.memory_space<vmem>>
        %dma_wait3A_44 = tpu.memref_squeeze %dma_wait3A_43 : memref<1x128xi32, #tpu.memory_space<vmem>> -> memref<128xi32, #tpu.memory_space<vmem>>
        %dma_wait3A_45 = arith.constant 0 : i32
        %dma_wait3A_46 = tpu.memref_slice %arg3[%add3A_2, %dma_wait3A_45] : memref<2500x128xi32, #tpu.memory_space<hbm>> -> memref<1x128xi32, #tpu.memory_space<hbm>>
        %dma_wait3A_47 = tpu.memref_squeeze %dma_wait3A_46 : memref<1x128xi32, #tpu.memory_space<hbm>> -> memref<128xi32, #tpu.memory_space<hbm>>
        %dma_wait3A_48 = arith.constant 0 : i32
        %dma_wait3A_49 = tpu.memref_slice %arg5[%run_scoped3A, %dma_wait3A_48] : memref<4x128xi32, #tpu.memory_space<vmem>> -> memref<1x128xi32, #tpu.memory_space<vmem>>
        %dma_wait3A_50 = tpu.memref_squeeze %dma_wait3A_49 : memref<1x128xi32, #tpu.memory_space<vmem>> -> memref<128xi32, #tpu.memory_space<vmem>>
        %dma_wait3A_51 = arith.constant 0 : i32
        %dma_wait3A_52 = tpu.memref_slice %arg3[%add3A_2, %dma_wait3A_51] : memref<2500x128xi32, #tpu.memory_space<hbm>> -> memref<1x128xi32, #tpu.memory_space<hbm>>
        %dma_wait3A_53 = tpu.memref_squeeze %dma_wait3A_52 : memref<1x128xi32, #tpu.memory_space<hbm>> -> memref<128xi32, #tpu.memory_space<hbm>>
        tpu.wait_dma2 semaphore(%run_scoped3A_30 : memref<!tpu.dma_semaphore, #tpu.memory_space<semaphore_mem>>) src(%dma_wait3A_53 : memref<128xi32, #tpu.memory_space<hbm>>) dst(%dma_wait3A_50 : memref<128xi32, #tpu.memory_space<vmem>>)
        tpu.yield
      }) : () -> ()
      %dma_start3A = arith.constant 0 : i32
      %dma_start3A_24 = arith.constant 0 : i32
      %dma_start3A_25 = tpu.memref_slice %arg5[%dma_start3A, %dma_start3A_24] : memref<4x128xi32, #tpu.memory_space<vmem>> -> memref<1x128xi32, #tpu.memory_space<vmem>>
      %dma_start3A_26 = tpu.memref_squeeze %dma_start3A_25 : memref<1x128xi32, #tpu.memory_space<vmem>> -> memref<128xi32, #tpu.memory_space<vmem>>
      %dma_start3A_27 = arith.constant 0 : i32
      %dma_start3A_28 = arith.constant 0 : i32
      %dma_start3A_29 = tpu.memref_slice %arg2[%dma_start3A_27, %dma_start3A_28] : memref<320000x128xf32, #tpu.memory_space<hbm>> -> memref<320000x128xf32, #tpu.memory_space<hbm>>
      tpu.enqueue_indirect_dma source(%dma_start3A_29 : memref<320000x128xf32, #tpu.memory_space<hbm>>) target(%arg6 : memref<128x128xf32, #tpu.memory_space<vmem>>) offsets(%dma_start3A_26 : memref<128xi32, #tpu.memory_space<vmem>>) semaphore(%arg10 : memref<!tpu.dma_semaphore, #tpu.memory_space<semaphore_mem>>)
    } else {
    }
    %add3A_5 = arith.constant 32 : i32
    %add3A_6 = arith.addi %add3A_5, %add3A : i32
    %lt3A_7 = arith.constant 2500 : i32
    %lt3A_8 = arith.cmpi slt, %add3A_6, %lt3A_7 : i32
    %convert_element_type3A_9 = arith.extui %lt3A_8 : i1 to i32
    %cond3A_10 = arith.constant 0 : i32
    %cond3A_11 = arith.cmpi ne, %convert_element_type3A_9, %cond3A_10 : i32
    scf.if %cond3A_11 {
      %run_scoped3A = arith.constant 1 : i32
      "tpu.region"() ({
        %run_scoped3A_30 = tpu.sem_alloc : memref<!tpu.dma_semaphore, #tpu.memory_space<semaphore_mem>>
        %dma_start3A_31 = arith.constant 0 : i32
        %dma_start3A_32 = tpu.memref_slice %arg5[%run_scoped3A, %dma_start3A_31] : memref<4x128xi32, #tpu.memory_space<vmem>> -> memref<1x128xi32, #tpu.memory_space<vmem>>
        %dma_start3A_33 = tpu.memref_squeeze %dma_start3A_32 : memref<1x128xi32, #tpu.memory_space<vmem>> -> memref<128xi32, #tpu.memory_space<vmem>>
        %dma_start3A_34 = arith.constant 0 : i32
        %dma_start3A_35 = tpu.memref_slice %arg3[%add3A_6, %dma_start3A_34] : memref<2500x128xi32, #tpu.memory_space<hbm>> -> memref<1x128xi32, #tpu.memory_space<hbm>>
        %dma_start3A_36 = tpu.memref_squeeze %dma_start3A_35 : memref<1x128xi32, #tpu.memory_space<hbm>> -> memref<128xi32, #tpu.memory_space<hbm>>
        %dma_start3A_37 = arith.constant 0 : i32
        %dma_start3A_38 = tpu.memref_slice %arg5[%run_scoped3A, %dma_start3A_37] : memref<4x128xi32, #tpu.memory_space<vmem>> -> memref<1x128xi32, #tpu.memory_space<vmem>>
        %dma_start3A_39 = tpu.memref_squeeze %dma_start3A_38 : memref<1x128xi32, #tpu.memory_space<vmem>> -> memref<128xi32, #tpu.memory_space<vmem>>
        %dma_start3A_40 = arith.constant 0 : i32
        %dma_start3A_41 = tpu.memref_slice %arg3[%add3A_6, %dma_start3A_40] : memref<2500x128xi32, #tpu.memory_space<hbm>> -> memref<1x128xi32, #tpu.memory_space<hbm>>
        %dma_start3A_42 = tpu.memref_squeeze %dma_start3A_41 : memref<1x128xi32, #tpu.memory_space<hbm>> -> memref<128xi32, #tpu.memory_space<hbm>>
        tpu.enqueue_dma source(%dma_start3A_42 : memref<128xi32, #tpu.memory_space<hbm>>) target(%dma_start3A_39 : memref<128xi32, #tpu.memory_space<vmem>>) target_semaphore(%run_scoped3A_30 : memref<!tpu.dma_semaphore, #tpu.memory_space<semaphore_mem>>)
        %dma_wait3A = arith.constant 0 : i32
        %dma_wait3A_43 = tpu.memref_slice %arg5[%run_scoped3A, %dma_wait3A] : memref<4x128xi32, #tpu.memory_space<vmem>> -> memref<1x128xi32, #tpu.memory_space<vmem>>
        %dma_wait3A_44 = tpu.memref_squeeze %dma_wait3A_43 : memref<1x128xi32, #tpu.memory_space<vmem>> -> memref<128xi32, #tpu.memory_space<vmem>>
        %dma_wait3A_45 = arith.constant 0 : i32
        %dma_wait3A_46 = tpu.memref_slice %arg3[%add3A_6, %dma_wait3A_45] : memref<2500x128xi32, #tpu.memory_space<hbm>> -> memref<1x128xi32, #tpu.memory_space<hbm>>
        %dma_wait3A_47 = tpu.memref_squeeze %dma_wait3A_46 : memref<1x128xi32, #tpu.memory_space<hbm>> -> memref<128xi32, #tpu.memory_space<hbm>>
        %dma_wait3A_48 = arith.constant 0 : i32
        %dma_wait3A_49 = tpu.memref_slice %arg5[%run_scoped3A, %dma_wait3A_48] : memref<4x128xi32, #tpu.memory_space<vmem>> -> memref<1x128xi32, #tpu.memory_space<vmem>>
        %dma_wait3A_50 = tpu.memref_squeeze %dma_wait3A_49 : memref<1x128xi32, #tpu.memory_space<vmem>> -> memref<128xi32, #tpu.memory_space<vmem>>
        %dma_wait3A_51 = arith.constant 0 : i32
        %dma_wait3A_52 = tpu.memref_slice %arg3[%add3A_6, %dma_wait3A_51] : memref<2500x128xi32, #tpu.memory_space<hbm>> -> memref<1x128xi32, #tpu.memory_space<hbm>>
        %dma_wait3A_53 = tpu.memref_squeeze %dma_wait3A_52 : memref<1x128xi32, #tpu.memory_space<hbm>> -> memref<128xi32, #tpu.memory_space<hbm>>
        tpu.wait_dma2 semaphore(%run_scoped3A_30 : memref<!tpu.dma_semaphore, #tpu.memory_space<semaphore_mem>>) src(%dma_wait3A_53 : memref<128xi32, #tpu.memory_space<hbm>>) dst(%dma_wait3A_50 : memref<128xi32, #tpu.memory_space<vmem>>)
        tpu.yield
      }) : () -> ()
      %dma_start3A = arith.constant 1 : i32
      %dma_start3A_24 = arith.constant 0 : i32
      %dma_start3A_25 = tpu.memref_slice %arg5[%dma_start3A, %dma_start3A_24] : memref<4x128xi32, #tpu.memory_space<vmem>> -> memref<1x128xi32, #tpu.memory_space<vmem>>
      %dma_start3A_26 = tpu.memref_squeeze %dma_start3A_25 : memref<1x128xi32, #tpu.memory_space<vmem>> -> memref<128xi32, #tpu.memory_space<vmem>>
      %dma_start3A_27 = arith.constant 0 : i32
      %dma_start3A_28 = arith.constant 0 : i32
      %dma_start3A_29 = tpu.memref_slice %arg2[%dma_start3A_27, %dma_start3A_28] : memref<320000x128xf32, #tpu.memory_space<hbm>> -> memref<320000x128xf32, #tpu.memory_space<hbm>>
      tpu.enqueue_indirect_dma source(%dma_start3A_29 : memref<320000x128xf32, #tpu.memory_space<hbm>>) target(%arg7 : memref<128x128xf32, #tpu.memory_space<vmem>>) offsets(%dma_start3A_26 : memref<128xi32, #tpu.memory_space<vmem>>) semaphore(%arg11 : memref<!tpu.dma_semaphore, #tpu.memory_space<semaphore_mem>>)
    } else {
    }
    %add3A_12 = arith.constant 64 : i32
    %add3A_13 = arith.addi %add3A_12, %add3A : i32
    %lt3A_14 = arith.constant 2500 : i32
    %lt3A_15 = arith.cmpi slt, %add3A_13, %lt3A_14 : i32
    %convert_element_type3A_16 = arith.extui %lt3A_15 : i1 to i32
    %cond3A_17 = arith.constant 0 : i32
    %cond3A_18 = arith.cmpi ne, %convert_element_type3A_16, %cond3A_17 : i32
    scf.if %cond3A_18 {
      %run_scoped3A = arith.constant 2 : i32
      "tpu.region"() ({
        %run_scoped3A_30 = tpu.sem_alloc : memref<!tpu.dma_semaphore, #tpu.memory_space<semaphore_mem>>
        %dma_start3A_31 = arith.constant 0 : i32
        %dma_start3A_32 = tpu.memref_slice %arg5[%run_scoped3A, %dma_start3A_31] : memref<4x128xi32, #tpu.memory_space<vmem>> -> memref<1x128xi32, #tpu.memory_space<vmem>>
        %dma_start3A_33 = tpu.memref_squeeze %dma_start3A_32 : memref<1x128xi32, #tpu.memory_space<vmem>> -> memref<128xi32, #tpu.memory_space<vmem>>
        %dma_start3A_34 = arith.constant 0 : i32
        %dma_start3A_35 = tpu.memref_slice %arg3[%add3A_13, %dma_start3A_34] : memref<2500x128xi32, #tpu.memory_space<hbm>> -> memref<1x128xi32, #tpu.memory_space<hbm>>
        %dma_start3A_36 = tpu.memref_squeeze %dma_start3A_35 : memref<1x128xi32, #tpu.memory_space<hbm>> -> memref<128xi32, #tpu.memory_space<hbm>>
        %dma_start3A_37 = arith.constant 0 : i32
        %dma_start3A_38 = tpu.memref_slice %arg5[%run_scoped3A, %dma_start3A_37] : memref<4x128xi32, #tpu.memory_space<vmem>> -> memref<1x128xi32, #tpu.memory_space<vmem>>
        %dma_start3A_39 = tpu.memref_squeeze %dma_start3A_38 : memref<1x128xi32, #tpu.memory_space<vmem>> -> memref<128xi32, #tpu.memory_space<vmem>>
        %dma_start3A_40 = arith.constant 0 : i32
        %dma_start3A_41 = tpu.memref_slice %arg3[%add3A_13, %dma_start3A_40] : memref<2500x128xi32, #tpu.memory_space<hbm>> -> memref<1x128xi32, #tpu.memory_space<hbm>>
        %dma_start3A_42 = tpu.memref_squeeze %dma_start3A_41 : memref<1x128xi32, #tpu.memory_space<hbm>> -> memref<128xi32, #tpu.memory_space<hbm>>
        tpu.enqueue_dma source(%dma_start3A_42 : memref<128xi32, #tpu.memory_space<hbm>>) target(%dma_start3A_39 : memref<128xi32, #tpu.memory_space<vmem>>) target_semaphore(%run_scoped3A_30 : memref<!tpu.dma_semaphore, #tpu.memory_space<semaphore_mem>>)
        %dma_wait3A = arith.constant 0 : i32
        %dma_wait3A_43 = tpu.memref_slice %arg5[%run_scoped3A, %dma_wait3A] : memref<4x128xi32, #tpu.memory_space<vmem>> -> memref<1x128xi32, #tpu.memory_space<vmem>>
        %dma_wait3A_44 = tpu.memref_squeeze %dma_wait3A_43 : memref<1x128xi32, #tpu.memory_space<vmem>> -> memref<128xi32, #tpu.memory_space<vmem>>
        %dma_wait3A_45 = arith.constant 0 : i32
        %dma_wait3A_46 = tpu.memref_slice %arg3[%add3A_13, %dma_wait3A_45] : memref<2500x128xi32, #tpu.memory_space<hbm>> -> memref<1x128xi32, #tpu.memory_space<hbm>>
        %dma_wait3A_47 = tpu.memref_squeeze %dma_wait3A_46 : memref<1x128xi32, #tpu.memory_space<hbm>> -> memref<128xi32, #tpu.memory_space<hbm>>
        %dma_wait3A_48 = arith.constant 0 : i32
        %dma_wait3A_49 = tpu.memref_slice %arg5[%run_scoped3A, %dma_wait3A_48] : memref<4x128xi32, #tpu.memory_space<vmem>> -> memref<1x128xi32, #tpu.memory_space<vmem>>
        %dma_wait3A_50 = tpu.memref_squeeze %dma_wait3A_49 : memref<1x128xi32, #tpu.memory_space<vmem>> -> memref<128xi32, #tpu.memory_space<vmem>>
        %dma_wait3A_51 = arith.constant 0 : i32
        %dma_wait3A_52 = tpu.memref_slice %arg3[%add3A_13, %dma_wait3A_51] : memref<2500x128xi32, #tpu.memory_space<hbm>> -> memref<1x128xi32, #tpu.memory_space<hbm>>
        %dma_wait3A_53 = tpu.memref_squeeze %dma_wait3A_52 : memref<1x128xi32, #tpu.memory_space<hbm>> -> memref<128xi32, #tpu.memory_space<hbm>>
        tpu.wait_dma2 semaphore(%run_scoped3A_30 : memref<!tpu.dma_semaphore, #tpu.memory_space<semaphore_mem>>) src(%dma_wait3A_53 : memref<128xi32, #tpu.memory_space<hbm>>) dst(%dma_wait3A_50 : memref<128xi32, #tpu.memory_space<vmem>>)
        tpu.yield
      }) : () -> ()
      %dma_start3A = arith.constant 2 : i32
      %dma_start3A_24 = arith.constant 0 : i32
      %dma_start3A_25 = tpu.memref_slice %arg5[%dma_start3A, %dma_start3A_24] : memref<4x128xi32, #tpu.memory_space<vmem>> -> memref<1x128xi32, #tpu.memory_space<vmem>>
      %dma_start3A_26 = tpu.memref_squeeze %dma_start3A_25 : memref<1x128xi32, #tpu.memory_space<vmem>> -> memref<128xi32, #tpu.memory_space<vmem>>
      %dma_start3A_27 = arith.constant 0 : i32
      %dma_start3A_28 = arith.constant 0 : i32
      %dma_start3A_29 = tpu.memref_slice %arg2[%dma_start3A_27, %dma_start3A_28] : memref<320000x128xf32, #tpu.memory_space<hbm>> -> memref<320000x128xf32, #tpu.memory_space<hbm>>
      tpu.enqueue_indirect_dma source(%dma_start3A_29 : memref<320000x128xf32, #tpu.memory_space<hbm>>) target(%arg8 : memref<128x128xf32, #tpu.memory_space<vmem>>) offsets(%dma_start3A_26 : memref<128xi32, #tpu.memory_space<vmem>>) semaphore(%arg12 : memref<!tpu.dma_semaphore, #tpu.memory_space<semaphore_mem>>)
    } else {
    }
    %scan3A = arith.constant 0 : i32
    %scan3A_19 = arith.constant 0 : i32
    %scan3A_20 = arith.constant 20 : i32
    %scan3A_21 = arith.addi %scan3A_19, %scan3A_20 : i32
    %scan3A_22 = arith.constant 1 : i32
    scf.for %scan3A_24 = %scan3A_19 to %scan3A_21 step %scan3A_22  : i32 {
      %mul3A_25 = arith.constant 4 : i32
      %mul3A_26 = arith.muli %mul3A_25, %scan3A_24 : i32
      %add3A_27 = arith.constant 0 : i32
      %add3A_28 = arith.addi %mul3A_26, %add3A_27 : i32
      %mul3A_29 = arith.constant 32 : i32
      %mul3A_30 = arith.muli %add3A_28, %mul3A_29 : i32
      %add3A_31 = arith.addi %mul3A_30, %add3A : i32
      %lt3A_32 = arith.constant 2500 : i32
      %lt3A_33 = arith.cmpi slt, %add3A_31, %lt3A_32 : i32
      %convert_element_type3A_34 = arith.extui %lt3A_33 : i1 to i32
      %cond3A_35 = arith.constant 0 : i32
      %cond3A_36 = arith.cmpi ne, %convert_element_type3A_34, %cond3A_35 : i32
      scf.if %cond3A_36 {
        %dma_wait3A = arith.constant 0 : i32
        %dma_wait3A_101 = arith.constant 0 : i32
        %dma_wait3A_102 = tpu.memref_slice %arg2[%dma_wait3A, %dma_wait3A_101] : memref<320000x128xf32, #tpu.memory_space<hbm>> -> memref<128x128xf32, #tpu.memory_space<hbm>>
        %dma_wait3A_103 = arith.constant 0 : i32
        %dma_wait3A_104 = arith.constant 0 : i32
        %dma_wait3A_105 = tpu.memref_slice %arg2[%dma_wait3A_103, %dma_wait3A_104] : memref<320000x128xf32, #tpu.memory_space<hbm>> -> memref<128x128xf32, #tpu.memory_space<hbm>>
        tpu.wait_dma2 semaphore(%arg10 : memref<!tpu.dma_semaphore, #tpu.memory_space<semaphore_mem>>) src(%dma_wait3A_105 : memref<128x128xf32, #tpu.memory_space<hbm>>) dst(%arg6 : memref<128x128xf32, #tpu.memory_space<vmem>>)
        %mul3A_106 = arith.constant 128 : i32
        %mul3A_107 = arith.muli %add3A_31, %mul3A_106 : i32
        "tpu.region"() ({
          %run_scoped3A = tpu.sem_alloc : memref<!tpu.dma_semaphore, #tpu.memory_space<semaphore_mem>>
          %dma_start3A = arith.constant 0 : i32
          %dma_start3A_108 = tpu.memref_slice %arg4[%mul3A_107, %dma_start3A] : memref<320000x128xf32, #tpu.memory_space<hbm>> -> memref<128x128xf32, #tpu.memory_space<hbm>>
          %dma_start3A_109 = arith.constant 0 : i32
          %dma_start3A_110 = tpu.memref_slice %arg4[%mul3A_107, %dma_start3A_109] : memref<320000x128xf32, #tpu.memory_space<hbm>> -> memref<128x128xf32, #tpu.memory_space<hbm>>
          tpu.enqueue_dma source(%arg6 : memref<128x128xf32, #tpu.memory_space<vmem>>) target(%dma_start3A_110 : memref<128x128xf32, #tpu.memory_space<hbm>>) target_semaphore(%run_scoped3A : memref<!tpu.dma_semaphore, #tpu.memory_space<semaphore_mem>>)
          %dma_wait3A_111 = arith.constant 0 : i32
          %dma_wait3A_112 = tpu.memref_slice %arg4[%mul3A_107, %dma_wait3A_111] : memref<320000x128xf32, #tpu.memory_space<hbm>> -> memref<128x128xf32, #tpu.memory_space<hbm>>
          %dma_wait3A_113 = arith.constant 0 : i32
          %dma_wait3A_114 = tpu.memref_slice %arg4[%mul3A_107, %dma_wait3A_113] : memref<320000x128xf32, #tpu.memory_space<hbm>> -> memref<128x128xf32, #tpu.memory_space<hbm>>
          tpu.wait_dma2 semaphore(%run_scoped3A : memref<!tpu.dma_semaphore, #tpu.memory_space<semaphore_mem>>) src(%arg6 : memref<128x128xf32, #tpu.memory_space<vmem>>) dst(%dma_wait3A_114 : memref<128x128xf32, #tpu.memory_space<hbm>>)
          tpu.yield
        }) : () -> ()
      } else {
      }
      %add3A_37 = arith.constant 96 : i32
      %add3A_38 = arith.addi %add3A_31, %add3A_37 : i32
      %lt3A_39 = arith.constant 2500 : i32
      %lt3A_40 = arith.cmpi slt, %add3A_38, %lt3A_39 : i32
      %convert_element_type3A_41 = arith.extui %lt3A_40 : i1 to i32
      %cond3A_42 = arith.constant 0 : i32
      %cond3A_43 = arith.cmpi ne, %convert_element_type3A_41, %cond3A_42 : i32
      scf.if %cond3A_43 {
        %run_scoped3A = arith.constant 3 : i32
        "tpu.region"() ({
          %run_scoped3A_107 = tpu.sem_alloc : memref<!tpu.dma_semaphore, #tpu.memory_space<semaphore_mem>>
          %dma_start3A_108 = arith.constant 0 : i32
          %dma_start3A_109 = tpu.memref_slice %arg5[%run_scoped3A, %dma_start3A_108] : memref<4x128xi32, #tpu.memory_space<vmem>> -> memref<1x128xi32, #tpu.memory_space<vmem>>
          %dma_start3A_110 = tpu.memref_squeeze %dma_start3A_109 : memref<1x128xi32, #tpu.memory_space<vmem>> -> memref<128xi32, #tpu.memory_space<vmem>>
          %dma_start3A_111 = arith.constant 0 : i32
          %dma_start3A_112 = tpu.memref_slice %arg3[%add3A_38, %dma_start3A_111] : memref<2500x128xi32, #tpu.memory_space<hbm>> -> memref<1x128xi32, #tpu.memory_space<hbm>>
          %dma_start3A_113 = tpu.memref_squeeze %dma_start3A_112 : memref<1x128xi32, #tpu.memory_space<hbm>> -> memref<128xi32, #tpu.memory_space<hbm>>
          %dma_start3A_114 = arith.constant 0 : i32
          %dma_start3A_115 = tpu.memref_slice %arg5[%run_scoped3A, %dma_start3A_114] : memref<4x128xi32, #tpu.memory_space<vmem>> -> memref<1x128xi32, #tpu.memory_space<vmem>>
          %dma_start3A_116 = tpu.memref_squeeze %dma_start3A_115 : memref<1x128xi32, #tpu.memory_space<vmem>> -> memref<128xi32, #tpu.memory_space<vmem>>
          %dma_start3A_117 = arith.constant 0 : i32
          %dma_start3A_118 = tpu.memref_slice %arg3[%add3A_38, %dma_start3A_117] : memref<2500x128xi32, #tpu.memory_space<hbm>> -> memref<1x128xi32, #tpu.memory_space<hbm>>
          %dma_start3A_119 = tpu.memref_squeeze %dma_start3A_118 : memref<1x128xi32, #tpu.memory_space<hbm>> -> memref<128xi32, #tpu.memory_space<hbm>>
          tpu.enqueue_dma source(%dma_start3A_119 : memref<128xi32, #tpu.memory_space<hbm>>) target(%dma_start3A_116 : memref<128xi32, #tpu.memory_space<vmem>>) target_semaphore(%run_scoped3A_107 : memref<!tpu.dma_semaphore, #tpu.memory_space<semaphore_mem>>)
          %dma_wait3A = arith.constant 0 : i32
          %dma_wait3A_120 = tpu.memref_slice %arg5[%run_scoped3A, %dma_wait3A] : memref<4x128xi32, #tpu.memory_space<vmem>> -> memref<1x128xi32, #tpu.memory_space<vmem>>
          %dma_wait3A_121 = tpu.memref_squeeze %dma_wait3A_120 : memref<1x128xi32, #tpu.memory_space<vmem>> -> memref<128xi32, #tpu.memory_space<vmem>>
          %dma_wait3A_122 = arith.constant 0 : i32
          %dma_wait3A_123 = tpu.memref_slice %arg3[%add3A_38, %dma_wait3A_122] : memref<2500x128xi32, #tpu.memory_space<hbm>> -> memref<1x128xi32, #tpu.memory_space<hbm>>
          %dma_wait3A_124 = tpu.memref_squeeze %dma_wait3A_123 : memref<1x128xi32, #tpu.memory_space<hbm>> -> memref<128xi32, #tpu.memory_space<hbm>>
          %dma_wait3A_125 = arith.constant 0 : i32
          %dma_wait3A_126 = tpu.memref_slice %arg5[%run_scoped3A, %dma_wait3A_125] : memref<4x128xi32, #tpu.memory_space<vmem>> -> memref<1x128xi32, #tpu.memory_space<vmem>>
          %dma_wait3A_127 = tpu.memref_squeeze %dma_wait3A_126 : memref<1x128xi32, #tpu.memory_space<vmem>> -> memref<128xi32, #tpu.memory_space<vmem>>
          %dma_wait3A_128 = arith.constant 0 : i32
          %dma_wait3A_129 = tpu.memref_slice %arg3[%add3A_38, %dma_wait3A_128] : memref<2500x128xi32, #tpu.memory_space<hbm>> -> memref<1x128xi32, #tpu.memory_space<hbm>>
          %dma_wait3A_130 = tpu.memref_squeeze %dma_wait3A_129 : memref<1x128xi32, #tpu.memory_space<hbm>> -> memref<128xi32, #tpu.memory_space<hbm>>
          tpu.wait_dma2 semaphore(%run_scoped3A_107 : memref<!tpu.dma_semaphore, #tpu.memory_space<semaphore_mem>>) src(%dma_wait3A_130 : memref<128xi32, #tpu.memory_space<hbm>>) dst(%dma_wait3A_127 : memref<128xi32, #tpu.memory_space<vmem>>)
          tpu.yield
        }) : () -> ()
        %dma_start3A = arith.constant 3 : i32
        %dma_start3A_101 = arith.constant 0 : i32
        %dma_start3A_102 = tpu.memref_slice %arg5[%dma_start3A, %dma_start3A_101] : memref<4x128xi32, #tpu.memory_space<vmem>> -> memref<1x128xi32, #tpu.memory_space<vmem>>
        %dma_start3A_103 = tpu.memref_squeeze %dma_start3A_102 : memref<1x128xi32, #tpu.memory_space<vmem>> -> memref<128xi32, #tpu.memory_space<vmem>>
        %dma_start3A_104 = arith.constant 0 : i32
        %dma_start3A_105 = arith.constant 0 : i32
        %dma_start3A_106 = tpu.memref_slice %arg2[%dma_start3A_104, %dma_start3A_105] : memref<320000x128xf32, #tpu.memory_space<hbm>> -> memref<320000x128xf32, #tpu.memory_space<hbm>>
        tpu.enqueue_indirect_dma source(%dma_start3A_106 : memref<320000x128xf32, #tpu.memory_space<hbm>>) target(%arg9 : memref<128x128xf32, #tpu.memory_space<vmem>>) offsets(%dma_start3A_103 : memref<128xi32, #tpu.memory_space<vmem>>) semaphore(%arg13 : memref<!tpu.dma_semaphore, #tpu.memory_space<semaphore_mem>>)
      } else {
      }
      %mul3A_44 = arith.constant 4 : i32
      %mul3A_45 = arith.muli %mul3A_44, %scan3A_24 : i32
      %add3A_46 = arith.constant 1 : i32
      %add3A_47 = arith.addi %mul3A_45, %add3A_46 : i32
      %mul3A_48 = arith.constant 32 : i32
      %mul3A_49 = arith.muli %add3A_47, %mul3A_48 : i32
      %add3A_50 = arith.addi %mul3A_49, %add3A : i32
      %lt3A_51 = arith.constant 2500 : i32
      %lt3A_52 = arith.cmpi slt, %add3A_50, %lt3A_51 : i32
      %convert_element_type3A_53 = arith.extui %lt3A_52 : i1 to i32
      %cond3A_54 = arith.constant 0 : i32
      %cond3A_55 = arith.cmpi ne, %convert_element_type3A_53, %cond3A_54 : i32
      scf.if %cond3A_55 {
        %dma_wait3A = arith.constant 0 : i32
        %dma_wait3A_101 = arith.constant 0 : i32
        %dma_wait3A_102 = tpu.memref_slice %arg2[%dma_wait3A, %dma_wait3A_101] : memref<320000x128xf32, #tpu.memory_space<hbm>> -> memref<128x128xf32, #tpu.memory_space<hbm>>
        %dma_wait3A_103 = arith.constant 0 : i32
        %dma_wait3A_104 = arith.constant 0 : i32
        %dma_wait3A_105 = tpu.memref_slice %arg2[%dma_wait3A_103, %dma_wait3A_104] : memref<320000x128xf32, #tpu.memory_space<hbm>> -> memref<128x128xf32, #tpu.memory_space<hbm>>
        tpu.wait_dma2 semaphore(%arg11 : memref<!tpu.dma_semaphore, #tpu.memory_space<semaphore_mem>>) src(%dma_wait3A_105 : memref<128x128xf32, #tpu.memory_space<hbm>>) dst(%arg7 : memref<128x128xf32, #tpu.memory_space<vmem>>)
        %mul3A_106 = arith.constant 128 : i32
        %mul3A_107 = arith.muli %add3A_50, %mul3A_106 : i32
        "tpu.region"() ({
          %run_scoped3A = tpu.sem_alloc : memref<!tpu.dma_semaphore, #tpu.memory_space<semaphore_mem>>
          %dma_start3A = arith.constant 0 : i32
          %dma_start3A_108 = tpu.memref_slice %arg4[%mul3A_107, %dma_start3A] : memref<320000x128xf32, #tpu.memory_space<hbm>> -> memref<128x128xf32, #tpu.memory_space<hbm>>
          %dma_start3A_109 = arith.constant 0 : i32
          %dma_start3A_110 = tpu.memref_slice %arg4[%mul3A_107, %dma_start3A_109] : memref<320000x128xf32, #tpu.memory_space<hbm>> -> memref<128x128xf32, #tpu.memory_space<hbm>>
          tpu.enqueue_dma source(%arg7 : memref<128x128xf32, #tpu.memory_space<vmem>>) target(%dma_start3A_110 : memref<128x128xf32, #tpu.memory_space<hbm>>) target_semaphore(%run_scoped3A : memref<!tpu.dma_semaphore, #tpu.memory_space<semaphore_mem>>)
          %dma_wait3A_111 = arith.constant 0 : i32
          %dma_wait3A_112 = tpu.memref_slice %arg4[%mul3A_107, %dma_wait3A_111] : memref<320000x128xf32, #tpu.memory_space<hbm>> -> memref<128x128xf32, #tpu.memory_space<hbm>>
          %dma_wait3A_113 = arith.constant 0 : i32
          %dma_wait3A_114 = tpu.memref_slice %arg4[%mul3A_107, %dma_wait3A_113] : memref<320000x128xf32, #tpu.memory_space<hbm>> -> memref<128x128xf32, #tpu.memory_space<hbm>>
          tpu.wait_dma2 semaphore(%run_scoped3A : memref<!tpu.dma_semaphore, #tpu.memory_space<semaphore_mem>>) src(%arg7 : memref<128x128xf32, #tpu.memory_space<vmem>>) dst(%dma_wait3A_114 : memref<128x128xf32, #tpu.memory_space<hbm>>)
          tpu.yield
        }) : () -> ()
      } else {
      }
      %add3A_56 = arith.constant 96 : i32
      %add3A_57 = arith.addi %add3A_50, %add3A_56 : i32
      %lt3A_58 = arith.constant 2500 : i32
      %lt3A_59 = arith.cmpi slt, %add3A_57, %lt3A_58 : i32
      %convert_element_type3A_60 = arith.extui %lt3A_59 : i1 to i32
      %cond3A_61 = arith.constant 0 : i32
      %cond3A_62 = arith.cmpi ne, %convert_element_type3A_60, %cond3A_61 : i32
      scf.if %cond3A_62 {
        %run_scoped3A = arith.constant 0 : i32
        "tpu.region"() ({
          %run_scoped3A_107 = tpu.sem_alloc : memref<!tpu.dma_semaphore, #tpu.memory_space<semaphore_mem>>
          %dma_start3A_108 = arith.constant 0 : i32
          %dma_start3A_109 = tpu.memref_slice %arg5[%run_scoped3A, %dma_start3A_108] : memref<4x128xi32, #tpu.memory_space<vmem>> -> memref<1x128xi32, #tpu.memory_space<vmem>>
          %dma_start3A_110 = tpu.memref_squeeze %dma_start3A_109 : memref<1x128xi32, #tpu.memory_space<vmem>> -> memref<128xi32, #tpu.memory_space<vmem>>
          %dma_start3A_111 = arith.constant 0 : i32
          %dma_start3A_112 = tpu.memref_slice %arg3[%add3A_57, %dma_start3A_111] : memref<2500x128xi32, #tpu.memory_space<hbm>> -> memref<1x128xi32, #tpu.memory_space<hbm>>
          %dma_start3A_113 = tpu.memref_squeeze %dma_start3A_112 : memref<1x128xi32, #tpu.memory_space<hbm>> -> memref<128xi32, #tpu.memory_space<hbm>>
          %dma_start3A_114 = arith.constant 0 : i32
          %dma_start3A_115 = tpu.memref_slice %arg5[%run_scoped3A, %dma_start3A_114] : memref<4x128xi32, #tpu.memory_space<vmem>> -> memref<1x128xi32, #tpu.memory_space<vmem>>
          %dma_start3A_116 = tpu.memref_squeeze %dma_start3A_115 : memref<1x128xi32, #tpu.memory_space<vmem>> -> memref<128xi32, #tpu.memory_space<vmem>>
          %dma_start3A_117 = arith.constant 0 : i32
          %dma_start3A_118 = tpu.memref_slice %arg3[%add3A_57, %dma_start3A_117] : memref<2500x128xi32, #tpu.memory_space<hbm>> -> memref<1x128xi32, #tpu.memory_space<hbm>>
          %dma_start3A_119 = tpu.memref_squeeze %dma_start3A_118 : memref<1x128xi32, #tpu.memory_space<hbm>> -> memref<128xi32, #tpu.memory_space<hbm>>
          tpu.enqueue_dma source(%dma_start3A_119 : memref<128xi32, #tpu.memory_space<hbm>>) target(%dma_start3A_116 : memref<128xi32, #tpu.memory_space<vmem>>) target_semaphore(%run_scoped3A_107 : memref<!tpu.dma_semaphore, #tpu.memory_space<semaphore_mem>>)
          %dma_wait3A = arith.constant 0 : i32
          %dma_wait3A_120 = tpu.memref_slice %arg5[%run_scoped3A, %dma_wait3A] : memref<4x128xi32, #tpu.memory_space<vmem>> -> memref<1x128xi32, #tpu.memory_space<vmem>>
          %dma_wait3A_121 = tpu.memref_squeeze %dma_wait3A_120 : memref<1x128xi32, #tpu.memory_space<vmem>> -> memref<128xi32, #tpu.memory_space<vmem>>
          %dma_wait3A_122 = arith.constant 0 : i32
          %dma_wait3A_123 = tpu.memref_slice %arg3[%add3A_57, %dma_wait3A_122] : memref<2500x128xi32, #tpu.memory_space<hbm>> -> memref<1x128xi32, #tpu.memory_space<hbm>>
          %dma_wait3A_124 = tpu.memref_squeeze %dma_wait3A_123 : memref<1x128xi32, #tpu.memory_space<hbm>> -> memref<128xi32, #tpu.memory_space<hbm>>
          %dma_wait3A_125 = arith.constant 0 : i32
          %dma_wait3A_126 = tpu.memref_slice %arg5[%run_scoped3A, %dma_wait3A_125] : memref<4x128xi32, #tpu.memory_space<vmem>> -> memref<1x128xi32, #tpu.memory_space<vmem>>
          %dma_wait3A_127 = tpu.memref_squeeze %dma_wait3A_126 : memref<1x128xi32, #tpu.memory_space<vmem>> -> memref<128xi32, #tpu.memory_space<vmem>>
          %dma_wait3A_128 = arith.constant 0 : i32
          %dma_wait3A_129 = tpu.memref_slice %arg3[%add3A_57, %dma_wait3A_128] : memref<2500x128xi32, #tpu.memory_space<hbm>> -> memref<1x128xi32, #tpu.memory_space<hbm>>
          %dma_wait3A_130 = tpu.memref_squeeze %dma_wait3A_129 : memref<1x128xi32, #tpu.memory_space<hbm>> -> memref<128xi32, #tpu.memory_space<hbm>>
          tpu.wait_dma2 semaphore(%run_scoped3A_107 : memref<!tpu.dma_semaphore, #tpu.memory_space<semaphore_mem>>) src(%dma_wait3A_130 : memref<128xi32, #tpu.memory_space<hbm>>) dst(%dma_wait3A_127 : memref<128xi32, #tpu.memory_space<vmem>>)
          tpu.yield
        }) : () -> ()
        %dma_start3A = arith.constant 0 : i32
        %dma_start3A_101 = arith.constant 0 : i32
        %dma_start3A_102 = tpu.memref_slice %arg5[%dma_start3A, %dma_start3A_101] : memref<4x128xi32, #tpu.memory_space<vmem>> -> memref<1x128xi32, #tpu.memory_space<vmem>>
        %dma_start3A_103 = tpu.memref_squeeze %dma_start3A_102 : memref<1x128xi32, #tpu.memory_space<vmem>> -> memref<128xi32, #tpu.memory_space<vmem>>
        %dma_start3A_104 = arith.constant 0 : i32
        %dma_start3A_105 = arith.constant 0 : i32
        %dma_start3A_106 = tpu.memref_slice %arg2[%dma_start3A_104, %dma_start3A_105] : memref<320000x128xf32, #tpu.memory_space<hbm>> -> memref<320000x128xf32, #tpu.memory_space<hbm>>
        tpu.enqueue_indirect_dma source(%dma_start3A_106 : memref<320000x128xf32, #tpu.memory_space<hbm>>) target(%arg6 : memref<128x128xf32, #tpu.memory_space<vmem>>) offsets(%dma_start3A_103 : memref<128xi32, #tpu.memory_space<vmem>>) semaphore(%arg10 : memref<!tpu.dma_semaphore, #tpu.memory_space<semaphore_mem>>)
      } else {
      }
      %mul3A_63 = arith.constant 4 : i32
      %mul3A_64 = arith.muli %mul3A_63, %scan3A_24 : i32
      %add3A_65 = arith.constant 2 : i32
      %add3A_66 = arith.addi %mul3A_64, %add3A_65 : i32
      %mul3A_67 = arith.constant 32 : i32
      %mul3A_68 = arith.muli %add3A_66, %mul3A_67 : i32
      %add3A_69 = arith.addi %mul3A_68, %add3A : i32
      %lt3A_70 = arith.constant 2500 : i32
      %lt3A_71 = arith.cmpi slt, %add3A_69, %lt3A_70 : i32
      %convert_element_type3A_72 = arith.extui %lt3A_71 : i1 to i32
      %cond3A_73 = arith.constant 0 : i32
      %cond3A_74 = arith.cmpi ne, %convert_element_type3A_72, %cond3A_73 : i32
      scf.if %cond3A_74 {
        %dma_wait3A = arith.constant 0 : i32
        %dma_wait3A_101 = arith.constant 0 : i32
        %dma_wait3A_102 = tpu.memref_slice %arg2[%dma_wait3A, %dma_wait3A_101] : memref<320000x128xf32, #tpu.memory_space<hbm>> -> memref<128x128xf32, #tpu.memory_space<hbm>>
        %dma_wait3A_103 = arith.constant 0 : i32
        %dma_wait3A_104 = arith.constant 0 : i32
        %dma_wait3A_105 = tpu.memref_slice %arg2[%dma_wait3A_103, %dma_wait3A_104] : memref<320000x128xf32, #tpu.memory_space<hbm>> -> memref<128x128xf32, #tpu.memory_space<hbm>>
        tpu.wait_dma2 semaphore(%arg12 : memref<!tpu.dma_semaphore, #tpu.memory_space<semaphore_mem>>) src(%dma_wait3A_105 : memref<128x128xf32, #tpu.memory_space<hbm>>) dst(%arg8 : memref<128x128xf32, #tpu.memory_space<vmem>>)
        %mul3A_106 = arith.constant 128 : i32
        %mul3A_107 = arith.muli %add3A_69, %mul3A_106 : i32
        "tpu.region"() ({
          %run_scoped3A = tpu.sem_alloc : memref<!tpu.dma_semaphore, #tpu.memory_space<semaphore_mem>>
          %dma_start3A = arith.constant 0 : i32
          %dma_start3A_108 = tpu.memref_slice %arg4[%mul3A_107, %dma_start3A] : memref<320000x128xf32, #tpu.memory_space<hbm>> -> memref<128x128xf32, #tpu.memory_space<hbm>>
          %dma_start3A_109 = arith.constant 0 : i32
          %dma_start3A_110 = tpu.memref_slice %arg4[%mul3A_107, %dma_start3A_109] : memref<320000x128xf32, #tpu.memory_space<hbm>> -> memref<128x128xf32, #tpu.memory_space<hbm>>
          tpu.enqueue_dma source(%arg8 : memref<128x128xf32, #tpu.memory_space<vmem>>) target(%dma_start3A_110 : memref<128x128xf32, #tpu.memory_space<hbm>>) target_semaphore(%run_scoped3A : memref<!tpu.dma_semaphore, #tpu.memory_space<semaphore_mem>>)
          %dma_wait3A_111 = arith.constant 0 : i32
          %dma_wait3A_112 = tpu.memref_slice %arg4[%mul3A_107, %dma_wait3A_111] : memref<320000x128xf32, #tpu.memory_space<hbm>> -> memref<128x128xf32, #tpu.memory_space<hbm>>
          %dma_wait3A_113 = arith.constant 0 : i32
          %dma_wait3A_114 = tpu.memref_slice %arg4[%mul3A_107, %dma_wait3A_113] : memref<320000x128xf32, #tpu.memory_space<hbm>> -> memref<128x128xf32, #tpu.memory_space<hbm>>
          tpu.wait_dma2 semaphore(%run_scoped3A : memref<!tpu.dma_semaphore, #tpu.memory_space<semaphore_mem>>) src(%arg8 : memref<128x128xf32, #tpu.memory_space<vmem>>) dst(%dma_wait3A_114 : memref<128x128xf32, #tpu.memory_space<hbm>>)
          tpu.yield
        }) : () -> ()
      } else {
      }
      %add3A_75 = arith.constant 96 : i32
      %add3A_76 = arith.addi %add3A_69, %add3A_75 : i32
      %lt3A_77 = arith.constant 2500 : i32
      %lt3A_78 = arith.cmpi slt, %add3A_76, %lt3A_77 : i32
      %convert_element_type3A_79 = arith.extui %lt3A_78 : i1 to i32
      %cond3A_80 = arith.constant 0 : i32
      %cond3A_81 = arith.cmpi ne, %convert_element_type3A_79, %cond3A_80 : i32
      scf.if %cond3A_81 {
        %run_scoped3A = arith.constant 1 : i32
        "tpu.region"() ({
          %run_scoped3A_107 = tpu.sem_alloc : memref<!tpu.dma_semaphore, #tpu.memory_space<semaphore_mem>>
          %dma_start3A_108 = arith.constant 0 : i32
          %dma_start3A_109 = tpu.memref_slice %arg5[%run_scoped3A, %dma_start3A_108] : memref<4x128xi32, #tpu.memory_space<vmem>> -> memref<1x128xi32, #tpu.memory_space<vmem>>
          %dma_start3A_110 = tpu.memref_squeeze %dma_start3A_109 : memref<1x128xi32, #tpu.memory_space<vmem>> -> memref<128xi32, #tpu.memory_space<vmem>>
          %dma_start3A_111 = arith.constant 0 : i32
          %dma_start3A_112 = tpu.memref_slice %arg3[%add3A_76, %dma_start3A_111] : memref<2500x128xi32, #tpu.memory_space<hbm>> -> memref<1x128xi32, #tpu.memory_space<hbm>>
          %dma_start3A_113 = tpu.memref_squeeze %dma_start3A_112 : memref<1x128xi32, #tpu.memory_space<hbm>> -> memref<128xi32, #tpu.memory_space<hbm>>
          %dma_start3A_114 = arith.constant 0 : i32
          %dma_start3A_115 = tpu.memref_slice %arg5[%run_scoped3A, %dma_start3A_114] : memref<4x128xi32, #tpu.memory_space<vmem>> -> memref<1x128xi32, #tpu.memory_space<vmem>>
          %dma_start3A_116 = tpu.memref_squeeze %dma_start3A_115 : memref<1x128xi32, #tpu.memory_space<vmem>> -> memref<128xi32, #tpu.memory_space<vmem>>
          %dma_start3A_117 = arith.constant 0 : i32
          %dma_start3A_118 = tpu.memref_slice %arg3[%add3A_76, %dma_start3A_117] : memref<2500x128xi32, #tpu.memory_space<hbm>> -> memref<1x128xi32, #tpu.memory_space<hbm>>
          %dma_start3A_119 = tpu.memref_squeeze %dma_start3A_118 : memref<1x128xi32, #tpu.memory_space<hbm>> -> memref<128xi32, #tpu.memory_space<hbm>>
          tpu.enqueue_dma source(%dma_start3A_119 : memref<128xi32, #tpu.memory_space<hbm>>) target(%dma_start3A_116 : memref<128xi32, #tpu.memory_space<vmem>>) target_semaphore(%run_scoped3A_107 : memref<!tpu.dma_semaphore, #tpu.memory_space<semaphore_mem>>)
          %dma_wait3A = arith.constant 0 : i32
          %dma_wait3A_120 = tpu.memref_slice %arg5[%run_scoped3A, %dma_wait3A] : memref<4x128xi32, #tpu.memory_space<vmem>> -> memref<1x128xi32, #tpu.memory_space<vmem>>
          %dma_wait3A_121 = tpu.memref_squeeze %dma_wait3A_120 : memref<1x128xi32, #tpu.memory_space<vmem>> -> memref<128xi32, #tpu.memory_space<vmem>>
          %dma_wait3A_122 = arith.constant 0 : i32
          %dma_wait3A_123 = tpu.memref_slice %arg3[%add3A_76, %dma_wait3A_122] : memref<2500x128xi32, #tpu.memory_space<hbm>> -> memref<1x128xi32, #tpu.memory_space<hbm>>
          %dma_wait3A_124 = tpu.memref_squeeze %dma_wait3A_123 : memref<1x128xi32, #tpu.memory_space<hbm>> -> memref<128xi32, #tpu.memory_space<hbm>>
          %dma_wait3A_125 = arith.constant 0 : i32
          %dma_wait3A_126 = tpu.memref_slice %arg5[%run_scoped3A, %dma_wait3A_125] : memref<4x128xi32, #tpu.memory_space<vmem>> -> memref<1x128xi32, #tpu.memory_space<vmem>>
          %dma_wait3A_127 = tpu.memref_squeeze %dma_wait3A_126 : memref<1x128xi32, #tpu.memory_space<vmem>> -> memref<128xi32, #tpu.memory_space<vmem>>
          %dma_wait3A_128 = arith.constant 0 : i32
          %dma_wait3A_129 = tpu.memref_slice %arg3[%add3A_76, %dma_wait3A_128] : memref<2500x128xi32, #tpu.memory_space<hbm>> -> memref<1x128xi32, #tpu.memory_space<hbm>>
          %dma_wait3A_130 = tpu.memref_squeeze %dma_wait3A_129 : memref<1x128xi32, #tpu.memory_space<hbm>> -> memref<128xi32, #tpu.memory_space<hbm>>
          tpu.wait_dma2 semaphore(%run_scoped3A_107 : memref<!tpu.dma_semaphore, #tpu.memory_space<semaphore_mem>>) src(%dma_wait3A_130 : memref<128xi32, #tpu.memory_space<hbm>>) dst(%dma_wait3A_127 : memref<128xi32, #tpu.memory_space<vmem>>)
          tpu.yield
        }) : () -> ()
        %dma_start3A = arith.constant 1 : i32
        %dma_start3A_101 = arith.constant 0 : i32
        %dma_start3A_102 = tpu.memref_slice %arg5[%dma_start3A, %dma_start3A_101] : memref<4x128xi32, #tpu.memory_space<vmem>> -> memref<1x128xi32, #tpu.memory_space<vmem>>
        %dma_start3A_103 = tpu.memref_squeeze %dma_start3A_102 : memref<1x128xi32, #tpu.memory_space<vmem>> -> memref<128xi32, #tpu.memory_space<vmem>>
        %dma_start3A_104 = arith.constant 0 : i32
        %dma_start3A_105 = arith.constant 0 : i32
        %dma_start3A_106 = tpu.memref_slice %arg2[%dma_start3A_104, %dma_start3A_105] : memref<320000x128xf32, #tpu.memory_space<hbm>> -> memref<320000x128xf32, #tpu.memory_space<hbm>>
        tpu.enqueue_indirect_dma source(%dma_start3A_106 : memref<320000x128xf32, #tpu.memory_space<hbm>>) target(%arg7 : memref<128x128xf32, #tpu.memory_space<vmem>>) offsets(%dma_start3A_103 : memref<128xi32, #tpu.memory_space<vmem>>) semaphore(%arg11 : memref<!tpu.dma_semaphore, #tpu.memory_space<semaphore_mem>>)
      } else {
      }
      %mul3A_82 = arith.constant 4 : i32
      %mul3A_83 = arith.muli %mul3A_82, %scan3A_24 : i32
      %add3A_84 = arith.constant 3 : i32
      %add3A_85 = arith.addi %mul3A_83, %add3A_84 : i32
      %mul3A_86 = arith.constant 32 : i32
      %mul3A_87 = arith.muli %add3A_85, %mul3A_86 : i32
      %add3A_88 = arith.addi %mul3A_87, %add3A : i32
      %lt3A_89 = arith.constant 2500 : i32
      %lt3A_90 = arith.cmpi slt, %add3A_88, %lt3A_89 : i32
      %convert_element_type3A_91 = arith.extui %lt3A_90 : i1 to i32
      %cond3A_92 = arith.constant 0 : i32
      %cond3A_93 = arith.cmpi ne, %convert_element_type3A_91, %cond3A_92 : i32
      scf.if %cond3A_93 {
        %dma_wait3A = arith.constant 0 : i32
        %dma_wait3A_101 = arith.constant 0 : i32
        %dma_wait3A_102 = tpu.memref_slice %arg2[%dma_wait3A, %dma_wait3A_101] : memref<320000x128xf32, #tpu.memory_space<hbm>> -> memref<128x128xf32, #tpu.memory_space<hbm>>
        %dma_wait3A_103 = arith.constant 0 : i32
        %dma_wait3A_104 = arith.constant 0 : i32
        %dma_wait3A_105 = tpu.memref_slice %arg2[%dma_wait3A_103, %dma_wait3A_104] : memref<320000x128xf32, #tpu.memory_space<hbm>> -> memref<128x128xf32, #tpu.memory_space<hbm>>
        tpu.wait_dma2 semaphore(%arg13 : memref<!tpu.dma_semaphore, #tpu.memory_space<semaphore_mem>>) src(%dma_wait3A_105 : memref<128x128xf32, #tpu.memory_space<hbm>>) dst(%arg9 : memref<128x128xf32, #tpu.memory_space<vmem>>)
        %mul3A_106 = arith.constant 128 : i32
        %mul3A_107 = arith.muli %add3A_88, %mul3A_106 : i32
        "tpu.region"() ({
          %run_scoped3A = tpu.sem_alloc : memref<!tpu.dma_semaphore, #tpu.memory_space<semaphore_mem>>
          %dma_start3A = arith.constant 0 : i32
          %dma_start3A_108 = tpu.memref_slice %arg4[%mul3A_107, %dma_start3A] : memref<320000x128xf32, #tpu.memory_space<hbm>> -> memref<128x128xf32, #tpu.memory_space<hbm>>
          %dma_start3A_109 = arith.constant 0 : i32
          %dma_start3A_110 = tpu.memref_slice %arg4[%mul3A_107, %dma_start3A_109] : memref<320000x128xf32, #tpu.memory_space<hbm>> -> memref<128x128xf32, #tpu.memory_space<hbm>>
          tpu.enqueue_dma source(%arg9 : memref<128x128xf32, #tpu.memory_space<vmem>>) target(%dma_start3A_110 : memref<128x128xf32, #tpu.memory_space<hbm>>) target_semaphore(%run_scoped3A : memref<!tpu.dma_semaphore, #tpu.memory_space<semaphore_mem>>)
          %dma_wait3A_111 = arith.constant 0 : i32
          %dma_wait3A_112 = tpu.memref_slice %arg4[%mul3A_107, %dma_wait3A_111] : memref<320000x128xf32, #tpu.memory_space<hbm>> -> memref<128x128xf32, #tpu.memory_space<hbm>>
          %dma_wait3A_113 = arith.constant 0 : i32
          %dma_wait3A_114 = tpu.memref_slice %arg4[%mul3A_107, %dma_wait3A_113] : memref<320000x128xf32, #tpu.memory_space<hbm>> -> memref<128x128xf32, #tpu.memory_space<hbm>>
          tpu.wait_dma2 semaphore(%run_scoped3A : memref<!tpu.dma_semaphore, #tpu.memory_space<semaphore_mem>>) src(%arg9 : memref<128x128xf32, #tpu.memory_space<vmem>>) dst(%dma_wait3A_114 : memref<128x128xf32, #tpu.memory_space<hbm>>)
          tpu.yield
        }) : () -> ()
      } else {
      }
      %add3A_94 = arith.constant 96 : i32
      %add3A_95 = arith.addi %add3A_88, %add3A_94 : i32
      %lt3A_96 = arith.constant 2500 : i32
      %lt3A_97 = arith.cmpi slt, %add3A_95, %lt3A_96 : i32
      %convert_element_type3A_98 = arith.extui %lt3A_97 : i1 to i32
      %cond3A_99 = arith.constant 0 : i32
      %cond3A_100 = arith.cmpi ne, %convert_element_type3A_98, %cond3A_99 : i32
      scf.if %cond3A_100 {
        %run_scoped3A = arith.constant 2 : i32
        "tpu.region"() ({
          %run_scoped3A_107 = tpu.sem_alloc : memref<!tpu.dma_semaphore, #tpu.memory_space<semaphore_mem>>
          %dma_start3A_108 = arith.constant 0 : i32
          %dma_start3A_109 = tpu.memref_slice %arg5[%run_scoped3A, %dma_start3A_108] : memref<4x128xi32, #tpu.memory_space<vmem>> -> memref<1x128xi32, #tpu.memory_space<vmem>>
          %dma_start3A_110 = tpu.memref_squeeze %dma_start3A_109 : memref<1x128xi32, #tpu.memory_space<vmem>> -> memref<128xi32, #tpu.memory_space<vmem>>
          %dma_start3A_111 = arith.constant 0 : i32
          %dma_start3A_112 = tpu.memref_slice %arg3[%add3A_95, %dma_start3A_111] : memref<2500x128xi32, #tpu.memory_space<hbm>> -> memref<1x128xi32, #tpu.memory_space<hbm>>
          %dma_start3A_113 = tpu.memref_squeeze %dma_start3A_112 : memref<1x128xi32, #tpu.memory_space<hbm>> -> memref<128xi32, #tpu.memory_space<hbm>>
          %dma_start3A_114 = arith.constant 0 : i32
          %dma_start3A_115 = tpu.memref_slice %arg5[%run_scoped3A, %dma_start3A_114] : memref<4x128xi32, #tpu.memory_space<vmem>> -> memref<1x128xi32, #tpu.memory_space<vmem>>
          %dma_start3A_116 = tpu.memref_squeeze %dma_start3A_115 : memref<1x128xi32, #tpu.memory_space<vmem>> -> memref<128xi32, #tpu.memory_space<vmem>>
          %dma_start3A_117 = arith.constant 0 : i32
          %dma_start3A_118 = tpu.memref_slice %arg3[%add3A_95, %dma_start3A_117] : memref<2500x128xi32, #tpu.memory_space<hbm>> -> memref<1x128xi32, #tpu.memory_space<hbm>>
          %dma_start3A_119 = tpu.memref_squeeze %dma_start3A_118 : memref<1x128xi32, #tpu.memory_space<hbm>> -> memref<128xi32, #tpu.memory_space<hbm>>
          tpu.enqueue_dma source(%dma_start3A_119 : memref<128xi32, #tpu.memory_space<hbm>>) target(%dma_start3A_116 : memref<128xi32, #tpu.memory_space<vmem>>) target_semaphore(%run_scoped3A_107 : memref<!tpu.dma_semaphore, #tpu.memory_space<semaphore_mem>>)
          %dma_wait3A = arith.constant 0 : i32
          %dma_wait3A_120 = tpu.memref_slice %arg5[%run_scoped3A, %dma_wait3A] : memref<4x128xi32, #tpu.memory_space<vmem>> -> memref<1x128xi32, #tpu.memory_space<vmem>>
          %dma_wait3A_121 = tpu.memref_squeeze %dma_wait3A_120 : memref<1x128xi32, #tpu.memory_space<vmem>> -> memref<128xi32, #tpu.memory_space<vmem>>
          %dma_wait3A_122 = arith.constant 0 : i32
          %dma_wait3A_123 = tpu.memref_slice %arg3[%add3A_95, %dma_wait3A_122] : memref<2500x128xi32, #tpu.memory_space<hbm>> -> memref<1x128xi32, #tpu.memory_space<hbm>>
          %dma_wait3A_124 = tpu.memref_squeeze %dma_wait3A_123 : memref<1x128xi32, #tpu.memory_space<hbm>> -> memref<128xi32, #tpu.memory_space<hbm>>
          %dma_wait3A_125 = arith.constant 0 : i32
          %dma_wait3A_126 = tpu.memref_slice %arg5[%run_scoped3A, %dma_wait3A_125] : memref<4x128xi32, #tpu.memory_space<vmem>> -> memref<1x128xi32, #tpu.memory_space<vmem>>
          %dma_wait3A_127 = tpu.memref_squeeze %dma_wait3A_126 : memref<1x128xi32, #tpu.memory_space<vmem>> -> memref<128xi32, #tpu.memory_space<vmem>>
          %dma_wait3A_128 = arith.constant 0 : i32
          %dma_wait3A_129 = tpu.memref_slice %arg3[%add3A_95, %dma_wait3A_128] : memref<2500x128xi32, #tpu.memory_space<hbm>> -> memref<1x128xi32, #tpu.memory_space<hbm>>
          %dma_wait3A_130 = tpu.memref_squeeze %dma_wait3A_129 : memref<1x128xi32, #tpu.memory_space<hbm>> -> memref<128xi32, #tpu.memory_space<hbm>>
          tpu.wait_dma2 semaphore(%run_scoped3A_107 : memref<!tpu.dma_semaphore, #tpu.memory_space<semaphore_mem>>) src(%dma_wait3A_130 : memref<128xi32, #tpu.memory_space<hbm>>) dst(%dma_wait3A_127 : memref<128xi32, #tpu.memory_space<vmem>>)
          tpu.yield
        }) : () -> ()
        %dma_start3A = arith.constant 2 : i32
        %dma_start3A_101 = arith.constant 0 : i32
        %dma_start3A_102 = tpu.memref_slice %arg5[%dma_start3A, %dma_start3A_101] : memref<4x128xi32, #tpu.memory_space<vmem>> -> memref<1x128xi32, #tpu.memory_space<vmem>>
        %dma_start3A_103 = tpu.memref_squeeze %dma_start3A_102 : memref<1x128xi32, #tpu.memory_space<vmem>> -> memref<128xi32, #tpu.memory_space<vmem>>
        %dma_start3A_104 = arith.constant 0 : i32
        %dma_start3A_105 = arith.constant 0 : i32
        %dma_start3A_106 = tpu.memref_slice %arg2[%dma_start3A_104, %dma_start3A_105] : memref<320000x128xf32, #tpu.memory_space<hbm>> -> memref<320000x128xf32, #tpu.memory_space<hbm>>
        tpu.enqueue_indirect_dma source(%dma_start3A_106 : memref<320000x128xf32, #tpu.memory_space<hbm>>) target(%arg8 : memref<128x128xf32, #tpu.memory_space<vmem>>) offsets(%dma_start3A_103 : memref<128xi32, #tpu.memory_space<vmem>>) semaphore(%arg12 : memref<!tpu.dma_semaphore, #tpu.memory_space<semaphore_mem>>)
      } else {
      }
    }
    %scan3A_23 = arith.constant 20 : i32
    return
  }
}

module attributes {stable_mosaic.version = 14 : i64} {
  func.func @_final_body(%arg0: i32, %arg1: memref<2560x128xf32, #tpu.memory_space<vmem>>, %arg2: memref<2560x128xf32, #tpu.memory_space<vmem>>, %arg3: memref<1x2560xf32, #tpu.memory_space<vmem>>, %arg4: memref<128x128xf32, #tpu.memory_space<vmem>>, %arg5: memref<1x128xf32, #tpu.memory_space<vmem>>, %arg6: memref<1x128xf32, #tpu.memory_space<vmem>>, %arg7: memref<2560x128xf32, #tpu.memory_space<vmem>>) attributes {dimension_semantics = [#tpu.dimension_semantics<parallel>], iteration_bounds = array<i64: 125>, scalar_prefetch = 0 : i64, scratch_operands = 0 : i64, tpu.core_type = #tpu.core_type<tc>, window_params = [{transform_indices = @transform_0, window_bounds = array<i64: 2560, 128>}, {transform_indices = @transform_1, window_bounds = array<i64: 2560, 128>}, {transform_indices = @transform_2, window_bounds = array<i64: 1, 2560>}, {pipeline_mode = #tpu.pipeline_mode<synchronous>, transform_indices = @transform_3, window_bounds = array<i64: 128, 128>}, {pipeline_mode = #tpu.pipeline_mode<synchronous>, transform_indices = @transform_4, window_bounds = array<i64: 1, 128>}, {pipeline_mode = #tpu.pipeline_mode<synchronous>, transform_indices = @transform_5, window_bounds = array<i64: 1, 128>}, {transform_indices = @transform_6, window_bounds = array<i64: 2560, 128>}]} {
    %get3A = arith.constant 0 : index
    %get3A_0 = arith.constant 0 : index
    %get3A_1 = vector.load %arg3[%get3A, %get3A_0] : memref<1x2560xf32, #tpu.memory_space<vmem>>, vector<1x2560xf32>
    %transpose3A = tpu.transpose %get3A_1, [1, 0] : vector<1x2560xf32> -> vector<2560x1xf32>
    %add3A = arith.constant 1.000000e+00 : f32
    %add3A_2 = vector.broadcast %add3A : f32 to vector<2560x1xf32>
    %add3A_3 = arith.addf %transpose3A, %add3A_2 : vector<2560x1xf32>
    %div3A = arith.constant 1.000000e+00 : f32
    %div3A_4 = vector.broadcast %div3A : f32 to vector<2560x1xf32>
    %div3A_5 = arith.divf %div3A_4, %add3A_3 : vector<2560x1xf32>
    %get3A_6 = arith.constant 0 : index
    %get3A_7 = arith.constant 0 : index
    %get3A_8 = vector.load %arg1[%get3A_6, %get3A_7] : memref<2560x128xf32, #tpu.memory_space<vmem>>, vector<2560x128xf32>
    %convert_element_type3A = arith.truncf %get3A_8 : vector<2560x128xf32> to vector<2560x128xbf16>
    %get3A_9 = arith.constant 0 : index
    %get3A_10 = arith.constant 0 : index
    %get3A_11 = vector.load %arg4[%get3A_9, %get3A_10] : memref<128x128xf32, #tpu.memory_space<vmem>>, vector<128x128xf32>
    %convert_element_type3A_12 = arith.truncf %get3A_11 : vector<128x128xf32> to vector<128x128xbf16>
    %dot_general3A = arith.constant dense<0.000000e+00> : vector<2560x128xf32>
    %dot_general3A_13 = tpu.matmul %convert_element_type3A, %convert_element_type3A_12, %dot_general3A {dimension_numbers = #tpu.dot_dimension_numbers<[1], [1], [0], [0], [0, 0, 1, 0], [], []>, transpose_lhs_hint = false} : vector<2560x128xbf16>, vector<128x128xbf16>, vector<2560x128xf32> -> vector<2560x128xf32>
    %get3A_14 = arith.constant 0 : index
    %get3A_15 = arith.constant 0 : index
    %get3A_16 = vector.load %arg2[%get3A_14, %get3A_15] : memref<2560x128xf32, #tpu.memory_space<vmem>>, vector<2560x128xf32>
    %mul3A = vector.broadcast %div3A_5 : vector<2560x1xf32> to vector<2560x128xf32>
    %mul3A_17 = arith.mulf %get3A_16, %mul3A : vector<2560x128xf32>
    %add3A_18 = arith.addf %dot_general3A_13, %mul3A_17 : vector<2560x128xf32>
    %get3A_19 = arith.constant 0 : index
    %get3A_20 = arith.constant 0 : index
    %get3A_21 = vector.load %arg5[%get3A_19, %get3A_20] : memref<1x128xf32, #tpu.memory_space<vmem>>, vector<1x128xf32>
    %add3A_22 = vector.broadcast %get3A_21 : vector<1x128xf32> to vector<2560x128xf32>
    %add3A_23 = arith.addf %add3A_18, %add3A_22 : vector<2560x128xf32>
    %get3A_24 = arith.constant 0 : index
    %get3A_25 = arith.constant 0 : index
    %get3A_26 = vector.load %arg6[%get3A_24, %get3A_25] : memref<1x128xf32, #tpu.memory_space<vmem>>, vector<1x128xf32>
    %add3A_27 = vector.broadcast %get3A_26 : vector<1x128xf32> to vector<2560x128xf32>
    %add3A_28 = arith.addf %add3A_23, %add3A_27 : vector<2560x128xf32>
    %swap3A = arith.constant 0 : index
    %swap3A_29 = arith.constant 0 : index
    %swap3A_30 = vector.load %arg7[%swap3A, %swap3A_29] : memref<2560x128xf32, #tpu.memory_space<vmem>>, vector<2560x128xf32>
    tpu.vector_store %arg7[%swap3A, %swap3A_29], %add3A_28 {strides = array<i32>} : memref<2560x128xf32, #tpu.memory_space<vmem>>, vector<2560x128xf32>,
    return
  }
  func.func @transform_0(%arg0: i32) -> (i32, i32) {
    %c0_i32 = arith.constant 0 : i32
    %c0_i32_0 = arith.constant 0 : i32
    return %arg0, %c0_i32 : i32, i32
  }
  func.func @transform_1(%arg0: i32) -> (i32, i32) {
    %c0_i32 = arith.constant 0 : i32
    %c0_i32_0 = arith.constant 0 : i32
    return %arg0, %c0_i32 : i32, i32
  }
  func.func @transform_2(%arg0: i32) -> (i32, i32) {
    %c0_i32 = arith.constant 0 : i32
    %c0_i32_0 = arith.constant 0 : i32
    return %c0_i32, %arg0 : i32, i32
  }
  func.func @transform_3(%arg0: i32) -> (i32, i32) {
    %c0_i32 = arith.constant 0 : i32
    %c0_i32_0 = arith.constant 0 : i32
    %c0_i32_1 = arith.constant 0 : i32
    return %c0_i32, %c0_i32_0 : i32, i32
  }
  func.func @transform_4(%arg0: i32) -> (i32, i32) {
    %c0_i32 = arith.constant 0 : i32
    %c0_i32_0 = arith.constant 0 : i32
    %c0_i32_1 = arith.constant 0 : i32
    return %c0_i32, %c0_i32_0 : i32, i32
  }
  func.func @transform_5(%arg0: i32) -> (i32, i32) {
    %c0_i32 = arith.constant 0 : i32
    %c0_i32_0 = arith.constant 0 : i32
    %c0_i32_1 = arith.constant 0 : i32
    return %c0_i32, %c0_i32_0 : i32, i32
  }
  func.func @transform_6(%arg0: i32) -> (i32, i32) {
    %c0_i32 = arith.constant 0 : i32
    %c0_i32_0 = arith.constant 0 : i32
    return %arg0, %c0_i32 : i32, i32
  }
}

module attributes {stable_mosaic.version = 14 : i64} {
  func.func @_cumsum_body(%arg0: i32, %arg1: memref<1x3200xi32, #tpu.memory_space<vmem>>, %arg2: memref<3200x128xf32, #tpu.memory_space<vmem>>, %arg3: memref<128x128xf32, #tpu.memory_space<vmem>>, %arg4: memref<3200x128xf32, #tpu.memory_space<vmem>>, %arg5: memref<1x128xf32, #tpu.memory_space<vmem>>, %arg6: memref<1x1xi32, #tpu.memory_space<vmem>>) attributes {dimension_semantics = [#tpu.dimension_semantics<arbitrary>], iteration_bounds = array<i64: 100>, scalar_prefetch = 0 : i64, scratch_operands = 2 : i64, tpu.core_type = #tpu.core_type<tc>, window_params = [{transform_indices = @transform_0, window_bounds = array<i64: 1, 3200>}, {transform_indices = @transform_1, window_bounds = array<i64: 3200, 128>}, {pipeline_mode = #tpu.pipeline_mode<synchronous>, transform_indices = @transform_2, window_bounds = array<i64: 128, 128>}, {transform_indices = @transform_3, window_bounds = array<i64: 3200, 128>}]} {
    %eq3A = arith.constant 0 : i32
    %eq3A_0 = arith.cmpi eq, %arg0, %eq3A : i32
    %convert_element_type3A = arith.extui %eq3A_0 : i1 to i32
    %cond3A = arith.constant 0 : i32
    %cond3A_1 = arith.cmpi ne, %convert_element_type3A, %cond3A : i32
    scf.if %cond3A_1 {
      %broadcast_in_dim3A = arith.constant 0.000000e+00 : f32
      %broadcast_in_dim3A_646 = vector.broadcast %broadcast_in_dim3A : f32 to vector<1x128xf32>
      %swap3A_647 = arith.constant 0 : index
      %swap3A_648 = arith.constant 0 : index
      %swap3A_649 = vector.load %arg5[%swap3A_647, %swap3A_648] : memref<1x128xf32, #tpu.memory_space<vmem>>, vector<1x128xf32>
      tpu.vector_store %arg5[%swap3A_647, %swap3A_648], %broadcast_in_dim3A_646 {strides = array<i32>} : memref<1x128xf32, #tpu.memory_space<vmem>>, vector<1x128xf32>,
      %broadcast_in_dim3A_650 = arith.constant -1 : i32
      %broadcast_in_dim3A_651 = vector.broadcast %broadcast_in_dim3A_650 : i32 to vector<1x1xi32>
      %swap3A_652 = arith.constant 0 : index
      %swap3A_653 = arith.constant 0 : index
      %swap3A_654 = vector.load %arg6[%swap3A_652, %swap3A_653] : memref<1x1xi32, #tpu.memory_space<vmem>>, vector<1x1xi32>
      tpu.vector_store %arg6[%swap3A_652, %swap3A_653], %broadcast_in_dim3A_651 {strides = array<i32>} : memref<1x1xi32, #tpu.memory_space<vmem>>, vector<1x1xi32>,
    } else {
    }
    %get3A = arith.constant 0 : index
    %get3A_2 = arith.constant 0 : index
    %get3A_3 = vector.load %arg1[%get3A, %get3A_2] : memref<1x3200xi32, #tpu.memory_space<vmem>>, vector<1x3200xi32>
    %transpose3A = tpu.transpose %get3A_3, [1, 0] : vector<1x3200xi32> -> vector<3200x1xi32>
    %iota3A = tpu.iota {dimensions = array<i32: 0>} : vector<128x128xi32>
    %iota3A_4 = tpu.iota {dimensions = array<i32: 1>} : vector<128x128xi32>
    %le3A = arith.cmpi sle, %iota3A_4, %iota3A : vector<128x128xi32>
    %get3A_5 = arith.constant 0 : index
    %get3A_6 = arith.constant 0 : index
    %get3A_7 = vector.load %arg3[%get3A_5, %get3A_6] : memref<128x128xf32, #tpu.memory_space<vmem>>, vector<128x128xf32>
    %convert_element_type3A_8 = arith.truncf %get3A_7 : vector<128x128xf32> to vector<128x128xbf16>
    %get3A_9 = arith.constant 0 : index
    %get3A_10 = arith.constant 0 : index
    %get3A_11 = vector.load %arg2[%get3A_9, %get3A_10] : memref<3200x128xf32, #tpu.memory_space<vmem>>, vector<3200x128xf32>
    %convert_element_type3A_12 = arith.truncf %get3A_11 : vector<3200x128xf32> to vector<3200x128xbf16>
    %dot_general3A = arith.constant dense<0.000000e+00> : vector<3200x128xf32>
    %dot_general3A_13 = tpu.matmul %convert_element_type3A_12, %convert_element_type3A_8, %dot_general3A {dimension_numbers = #tpu.dot_dimension_numbers<[1], [1], [0], [0], [0, 0, 1, 0], [], []>, transpose_lhs_hint = false} : vector<3200x128xbf16>, vector<128x128xbf16>, vector<3200x128xf32> -> vector<3200x128xf32>
    %convert_element_type3A_14 = arith.truncf %dot_general3A_13 : vector<3200x128xf32> to vector<3200x128xbf16>
    %get3A_15 = arith.constant 0 : index
    %get3A_16 = arith.constant 0 : index
    %get3A_17 = vector.load %arg5[%get3A_15, %get3A_16] : memref<1x128xf32, #tpu.memory_space<vmem>>, vector<1x128xf32>
    %get3A_18 = arith.constant 0 : index
    %get3A_19 = arith.constant 0 : index
    %get3A_20 = vector.load %arg6[%get3A_18, %get3A_19] : memref<1x1xi32, #tpu.memory_space<vmem>>, vector<1x1xi32>
    %slice3A = vector.extract_strided_slice %get3A_3 {offsets = [0, 0], sizes = [1, 128], strides = [1, 1]} : vector<1x3200xi32> to vector<1x128xi32>
    %slice3A_21 = vector.extract_strided_slice %transpose3A {offsets = [0, 0], sizes = [128, 1], strides = [1, 1]} : vector<3200x1xi32> to vector<128x1xi32>
    %ge3A = vector.broadcast %slice3A : vector<1x128xi32> to vector<128x128xi32>
    %ge3A_22 = vector.broadcast %slice3A_21 : vector<128x1xi32> to vector<128x128xi32>
    %ge3A_23 = arith.cmpi sge, %ge3A, %ge3A_22 : vector<128x128xi32>
    %and3A = arith.andi %le3A, %ge3A_23 : vector<128x128xi1>
    %convert_element_type3A_24 = arith.extui %and3A : vector<128x128xi1> to vector<128x128xi32>
    %convert_element_type3A_25 = arith.sitofp %convert_element_type3A_24 : vector<128x128xi32> to vector<128x128xf32>
    %convert_element_type3A_26 = arith.truncf %convert_element_type3A_25 : vector<128x128xf32> to vector<128x128xbf16>
    %slice3A_27 = vector.extract_strided_slice %convert_element_type3A_14 {offsets = [0, 0], sizes = [128, 128], strides = [1, 1]} : vector<3200x128xbf16> to vector<128x128xbf16>
    %dot_general3A_28 = arith.constant dense<0.000000e+00> : vector<128x128xf32>
    %dot_general3A_29 = tpu.matmul %convert_element_type3A_26, %slice3A_27, %dot_general3A_28 {dimension_numbers = #tpu.dot_dimension_numbers<[1], [0], [0], [1], [0, 0, 1, 1], [], []>, transpose_lhs_hint = false} : vector<128x128xbf16>, vector<128x128xbf16>, vector<128x128xf32> -> vector<128x128xf32>
    %eq3A_30 = vector.broadcast %get3A_20 : vector<1x1xi32> to vector<128x1xi32>
    %eq3A_31 = arith.cmpi eq, %slice3A_21, %eq3A_30 : vector<128x1xi32>
    %convert_element_type3A_32 = arith.extui %eq3A_31 : vector<128x1xi1> to vector<128x1xi32>
    %convert_element_type3A_33 = arith.sitofp %convert_element_type3A_32 : vector<128x1xi32> to vector<128x1xf32>
    %mul3A = vector.broadcast %convert_element_type3A_33 : vector<128x1xf32> to vector<128x128xf32>
    %mul3A_34 = vector.broadcast %get3A_17 : vector<1x128xf32> to vector<128x128xf32>
    %mul3A_35 = arith.mulf %mul3A, %mul3A_34 : vector<128x128xf32>
    %add3A = arith.addf %dot_general3A_29, %mul3A_35 : vector<128x128xf32>
    %swap3A = arith.constant 0 : index
    %swap3A_36 = arith.constant 0 : index
    %swap3A_37 = vector.load %arg4[%swap3A, %swap3A_36] : memref<3200x128xf32, #tpu.memory_space<vmem>>, vector<128x128xf32>
    tpu.vector_store %arg4[%swap3A, %swap3A_36], %add3A {strides = array<i32>} : memref<3200x128xf32, #tpu.memory_space<vmem>>, vector<128x128xf32>,
    %slice3A_38 = vector.extract_strided_slice %add3A {offsets = [127, 0], sizes = [1, 128], strides = [1, 1]} : vector<128x128xf32> to vector<1x128xf32>
    %slice3A_39 = vector.extract_strided_slice %slice3A_21 {offsets = [127, 0], sizes = [1, 1], strides = [1, 1]} : vector<128x1xi32> to vector<1x1xi32>
    %slice3A_40 = vector.extract_strided_slice %get3A_3 {offsets = [0, 128], sizes = [1, 128], strides = [1, 1]} : vector<1x3200xi32> to vector<1x128xi32>
    %slice3A_41 = vector.extract_strided_slice %transpose3A {offsets = [128, 0], sizes = [128, 1], strides = [1, 1]} : vector<3200x1xi32> to vector<128x1xi32>
    %ge3A_42 = vector.broadcast %slice3A_40 : vector<1x128xi32> to vector<128x128xi32>
    %ge3A_43 = vector.broadcast %slice3A_41 : vector<128x1xi32> to vector<128x128xi32>
    %ge3A_44 = arith.cmpi sge, %ge3A_42, %ge3A_43 : vector<128x128xi32>
    %and3A_45 = arith.andi %le3A, %ge3A_44 : vector<128x128xi1>
    %convert_element_type3A_46 = arith.extui %and3A_45 : vector<128x128xi1> to vector<128x128xi32>
    %convert_element_type3A_47 = arith.sitofp %convert_element_type3A_46 : vector<128x128xi32> to vector<128x128xf32>
    %convert_element_type3A_48 = arith.truncf %convert_element_type3A_47 : vector<128x128xf32> to vector<128x128xbf16>
    %slice3A_49 = vector.extract_strided_slice %convert_element_type3A_14 {offsets = [128, 0], sizes = [128, 128], strides = [1, 1]} : vector<3200x128xbf16> to vector<128x128xbf16>
    %dot_general3A_50 = arith.constant dense<0.000000e+00> : vector<128x128xf32>
    %dot_general3A_51 = tpu.matmul %convert_element_type3A_48, %slice3A_49, %dot_general3A_50 {dimension_numbers = #tpu.dot_dimension_numbers<[1], [0], [0], [1], [0, 0, 1, 1], [], []>, transpose_lhs_hint = false} : vector<128x128xbf16>, vector<128x128xbf16>, vector<128x128xf32> -> vector<128x128xf32>
    %eq3A_52 = vector.broadcast %slice3A_39 : vector<1x1xi32> to vector<128x1xi32>
    %eq3A_53 = arith.cmpi eq, %slice3A_41, %eq3A_52 : vector<128x1xi32>
    %convert_element_type3A_54 = arith.extui %eq3A_53 : vector<128x1xi1> to vector<128x1xi32>
    %convert_element_type3A_55 = arith.sitofp %convert_element_type3A_54 : vector<128x1xi32> to vector<128x1xf32>
    %mul3A_56 = vector.broadcast %convert_element_type3A_55 : vector<128x1xf32> to vector<128x128xf32>
    %mul3A_57 = vector.broadcast %slice3A_38 : vector<1x128xf32> to vector<128x128xf32>
    %mul3A_58 = arith.mulf %mul3A_56, %mul3A_57 : vector<128x128xf32>
    %add3A_59 = arith.addf %dot_general3A_51, %mul3A_58 : vector<128x128xf32>
    %swap3A_60 = arith.constant 128 : index
    %swap3A_61 = arith.constant 0 : index
    %swap3A_62 = vector.load %arg4[%swap3A_60, %swap3A_61] : memref<3200x128xf32, #tpu.memory_space<vmem>>, vector<128x128xf32>
    tpu.vector_store %arg4[%swap3A_60, %swap3A_61], %add3A_59 {strides = array<i32>} : memref<3200x128xf32, #tpu.memory_space<vmem>>, vector<128x128xf32>,
    %slice3A_63 = vector.extract_strided_slice %add3A_59 {offsets = [127, 0], sizes = [1, 128], strides = [1, 1]} : vector<128x128xf32> to vector<1x128xf32>
    %slice3A_64 = vector.extract_strided_slice %slice3A_41 {offsets = [127, 0], sizes = [1, 1], strides = [1, 1]} : vector<128x1xi32> to vector<1x1xi32>
    %slice3A_65 = vector.extract_strided_slice %get3A_3 {offsets = [0, 256], sizes = [1, 128], strides = [1, 1]} : vector<1x3200xi32> to vector<1x128xi32>
    %slice3A_66 = vector.extract_strided_slice %transpose3A {offsets = [256, 0], sizes = [128, 1], strides = [1, 1]} : vector<3200x1xi32> to vector<128x1xi32>
    %ge3A_67 = vector.broadcast %slice3A_65 : vector<1x128xi32> to vector<128x128xi32>
    %ge3A_68 = vector.broadcast %slice3A_66 : vector<128x1xi32> to vector<128x128xi32>
    %ge3A_69 = arith.cmpi sge, %ge3A_67, %ge3A_68 : vector<128x128xi32>
    %and3A_70 = arith.andi %le3A, %ge3A_69 : vector<128x128xi1>
    %convert_element_type3A_71 = arith.extui %and3A_70 : vector<128x128xi1> to vector<128x128xi32>
    %convert_element_type3A_72 = arith.sitofp %convert_element_type3A_71 : vector<128x128xi32> to vector<128x128xf32>
    %convert_element_type3A_73 = arith.truncf %convert_element_type3A_72 : vector<128x128xf32> to vector<128x128xbf16>
    %slice3A_74 = vector.extract_strided_slice %convert_element_type3A_14 {offsets = [256, 0], sizes = [128, 128], strides = [1, 1]} : vector<3200x128xbf16> to vector<128x128xbf16>
    %dot_general3A_75 = arith.constant dense<0.000000e+00> : vector<128x128xf32>
    %dot_general3A_76 = tpu.matmul %convert_element_type3A_73, %slice3A_74, %dot_general3A_75 {dimension_numbers = #tpu.dot_dimension_numbers<[1], [0], [0], [1], [0, 0, 1, 1], [], []>, transpose_lhs_hint = false} : vector<128x128xbf16>, vector<128x128xbf16>, vector<128x128xf32> -> vector<128x128xf32>
    %eq3A_77 = vector.broadcast %slice3A_64 : vector<1x1xi32> to vector<128x1xi32>
    %eq3A_78 = arith.cmpi eq, %slice3A_66, %eq3A_77 : vector<128x1xi32>
    %convert_element_type3A_79 = arith.extui %eq3A_78 : vector<128x1xi1> to vector<128x1xi32>
    %convert_element_type3A_80 = arith.sitofp %convert_element_type3A_79 : vector<128x1xi32> to vector<128x1xf32>
    %mul3A_81 = vector.broadcast %convert_element_type3A_80 : vector<128x1xf32> to vector<128x128xf32>
    %mul3A_82 = vector.broadcast %slice3A_63 : vector<1x128xf32> to vector<128x128xf32>
    %mul3A_83 = arith.mulf %mul3A_81, %mul3A_82 : vector<128x128xf32>
    %add3A_84 = arith.addf %dot_general3A_76, %mul3A_83 : vector<128x128xf32>
    %swap3A_85 = arith.constant 256 : index
    %swap3A_86 = arith.constant 0 : index
    %swap3A_87 = vector.load %arg4[%swap3A_85, %swap3A_86] : memref<3200x128xf32, #tpu.memory_space<vmem>>, vector<128x128xf32>
    tpu.vector_store %arg4[%swap3A_85, %swap3A_86], %add3A_84 {strides = array<i32>} : memref<3200x128xf32, #tpu.memory_space<vmem>>, vector<128x128xf32>,
    %slice3A_88 = vector.extract_strided_slice %add3A_84 {offsets = [127, 0], sizes = [1, 128], strides = [1, 1]} : vector<128x128xf32> to vector<1x128xf32>
    %slice3A_89 = vector.extract_strided_slice %slice3A_66 {offsets = [127, 0], sizes = [1, 1], strides = [1, 1]} : vector<128x1xi32> to vector<1x1xi32>
    %slice3A_90 = vector.extract_strided_slice %get3A_3 {offsets = [0, 384], sizes = [1, 128], strides = [1, 1]} : vector<1x3200xi32> to vector<1x128xi32>
    %slice3A_91 = vector.extract_strided_slice %transpose3A {offsets = [384, 0], sizes = [128, 1], strides = [1, 1]} : vector<3200x1xi32> to vector<128x1xi32>
    %ge3A_92 = vector.broadcast %slice3A_90 : vector<1x128xi32> to vector<128x128xi32>
    %ge3A_93 = vector.broadcast %slice3A_91 : vector<128x1xi32> to vector<128x128xi32>
    %ge3A_94 = arith.cmpi sge, %ge3A_92, %ge3A_93 : vector<128x128xi32>
    %and3A_95 = arith.andi %le3A, %ge3A_94 : vector<128x128xi1>
    %convert_element_type3A_96 = arith.extui %and3A_95 : vector<128x128xi1> to vector<128x128xi32>
    %convert_element_type3A_97 = arith.sitofp %convert_element_type3A_96 : vector<128x128xi32> to vector<128x128xf32>
    %convert_element_type3A_98 = arith.truncf %convert_element_type3A_97 : vector<128x128xf32> to vector<128x128xbf16>
    %slice3A_99 = vector.extract_strided_slice %convert_element_type3A_14 {offsets = [384, 0], sizes = [128, 128], strides = [1, 1]} : vector<3200x128xbf16> to vector<128x128xbf16>
    %dot_general3A_100 = arith.constant dense<0.000000e+00> : vector<128x128xf32>
    %dot_general3A_101 = tpu.matmul %convert_element_type3A_98, %slice3A_99, %dot_general3A_100 {dimension_numbers = #tpu.dot_dimension_numbers<[1], [0], [0], [1], [0, 0, 1, 1], [], []>, transpose_lhs_hint = false} : vector<128x128xbf16>, vector<128x128xbf16>, vector<128x128xf32> -> vector<128x128xf32>
    %eq3A_102 = vector.broadcast %slice3A_89 : vector<1x1xi32> to vector<128x1xi32>
    %eq3A_103 = arith.cmpi eq, %slice3A_91, %eq3A_102 : vector<128x1xi32>
    %convert_element_type3A_104 = arith.extui %eq3A_103 : vector<128x1xi1> to vector<128x1xi32>
    %convert_element_type3A_105 = arith.sitofp %convert_element_type3A_104 : vector<128x1xi32> to vector<128x1xf32>
    %mul3A_106 = vector.broadcast %convert_element_type3A_105 : vector<128x1xf32> to vector<128x128xf32>
    %mul3A_107 = vector.broadcast %slice3A_88 : vector<1x128xf32> to vector<128x128xf32>
    %mul3A_108 = arith.mulf %mul3A_106, %mul3A_107 : vector<128x128xf32>
    %add3A_109 = arith.addf %dot_general3A_101, %mul3A_108 : vector<128x128xf32>
    %swap3A_110 = arith.constant 384 : index
    %swap3A_111 = arith.constant 0 : index
    %swap3A_112 = vector.load %arg4[%swap3A_110, %swap3A_111] : memref<3200x128xf32, #tpu.memory_space<vmem>>, vector<128x128xf32>
    tpu.vector_store %arg4[%swap3A_110, %swap3A_111], %add3A_109 {strides = array<i32>} : memref<3200x128xf32, #tpu.memory_space<vmem>>, vector<128x128xf32>,
    %slice3A_113 = vector.extract_strided_slice %add3A_109 {offsets = [127, 0], sizes = [1, 128], strides = [1, 1]} : vector<128x128xf32> to vector<1x128xf32>
    %slice3A_114 = vector.extract_strided_slice %slice3A_91 {offsets = [127, 0], sizes = [1, 1], strides = [1, 1]} : vector<128x1xi32> to vector<1x1xi32>
    %slice3A_115 = vector.extract_strided_slice %get3A_3 {offsets = [0, 512], sizes = [1, 128], strides = [1, 1]} : vector<1x3200xi32> to vector<1x128xi32>
    %slice3A_116 = vector.extract_strided_slice %transpose3A {offsets = [512, 0], sizes = [128, 1], strides = [1, 1]} : vector<3200x1xi32> to vector<128x1xi32>
    %ge3A_117 = vector.broadcast %slice3A_115 : vector<1x128xi32> to vector<128x128xi32>
    %ge3A_118 = vector.broadcast %slice3A_116 : vector<128x1xi32> to vector<128x128xi32>
    %ge3A_119 = arith.cmpi sge, %ge3A_117, %ge3A_118 : vector<128x128xi32>
    %and3A_120 = arith.andi %le3A, %ge3A_119 : vector<128x128xi1>
    %convert_element_type3A_121 = arith.extui %and3A_120 : vector<128x128xi1> to vector<128x128xi32>
    %convert_element_type3A_122 = arith.sitofp %convert_element_type3A_121 : vector<128x128xi32> to vector<128x128xf32>
    %convert_element_type3A_123 = arith.truncf %convert_element_type3A_122 : vector<128x128xf32> to vector<128x128xbf16>
    %slice3A_124 = vector.extract_strided_slice %convert_element_type3A_14 {offsets = [512, 0], sizes = [128, 128], strides = [1, 1]} : vector<3200x128xbf16> to vector<128x128xbf16>
    %dot_general3A_125 = arith.constant dense<0.000000e+00> : vector<128x128xf32>
    %dot_general3A_126 = tpu.matmul %convert_element_type3A_123, %slice3A_124, %dot_general3A_125 {dimension_numbers = #tpu.dot_dimension_numbers<[1], [0], [0], [1], [0, 0, 1, 1], [], []>, transpose_lhs_hint = false} : vector<128x128xbf16>, vector<128x128xbf16>, vector<128x128xf32> -> vector<128x128xf32>
    %eq3A_127 = vector.broadcast %slice3A_114 : vector<1x1xi32> to vector<128x1xi32>
    %eq3A_128 = arith.cmpi eq, %slice3A_116, %eq3A_127 : vector<128x1xi32>
    %convert_element_type3A_129 = arith.extui %eq3A_128 : vector<128x1xi1> to vector<128x1xi32>
    %convert_element_type3A_130 = arith.sitofp %convert_element_type3A_129 : vector<128x1xi32> to vector<128x1xf32>
    %mul3A_131 = vector.broadcast %convert_element_type3A_130 : vector<128x1xf32> to vector<128x128xf32>
    %mul3A_132 = vector.broadcast %slice3A_113 : vector<1x128xf32> to vector<128x128xf32>
    %mul3A_133 = arith.mulf %mul3A_131, %mul3A_132 : vector<128x128xf32>
    %add3A_134 = arith.addf %dot_general3A_126, %mul3A_133 : vector<128x128xf32>
    %swap3A_135 = arith.constant 512 : index
    %swap3A_136 = arith.constant 0 : index
    %swap3A_137 = vector.load %arg4[%swap3A_135, %swap3A_136] : memref<3200x128xf32, #tpu.memory_space<vmem>>, vector<128x128xf32>
    tpu.vector_store %arg4[%swap3A_135, %swap3A_136], %add3A_134 {strides = array<i32>} : memref<3200x128xf32, #tpu.memory_space<vmem>>, vector<128x128xf32>,
    %slice3A_138 = vector.extract_strided_slice %add3A_134 {offsets = [127, 0], sizes = [1, 128], strides = [1, 1]} : vector<128x128xf32> to vector<1x128xf32>
    %slice3A_139 = vector.extract_strided_slice %slice3A_116 {offsets = [127, 0], sizes = [1, 1], strides = [1, 1]} : vector<128x1xi32> to vector<1x1xi32>
    %slice3A_140 = vector.extract_strided_slice %get3A_3 {offsets = [0, 640], sizes = [1, 128], strides = [1, 1]} : vector<1x3200xi32> to vector<1x128xi32>
    %slice3A_141 = vector.extract_strided_slice %transpose3A {offsets = [640, 0], sizes = [128, 1], strides = [1, 1]} : vector<3200x1xi32> to vector<128x1xi32>
    %ge3A_142 = vector.broadcast %slice3A_140 : vector<1x128xi32> to vector<128x128xi32>
    %ge3A_143 = vector.broadcast %slice3A_141 : vector<128x1xi32> to vector<128x128xi32>
    %ge3A_144 = arith.cmpi sge, %ge3A_142, %ge3A_143 : vector<128x128xi32>
    %and3A_145 = arith.andi %le3A, %ge3A_144 : vector<128x128xi1>
    %convert_element_type3A_146 = arith.extui %and3A_145 : vector<128x128xi1> to vector<128x128xi32>
    %convert_element_type3A_147 = arith.sitofp %convert_element_type3A_146 : vector<128x128xi32> to vector<128x128xf32>
    %convert_element_type3A_148 = arith.truncf %convert_element_type3A_147 : vector<128x128xf32> to vector<128x128xbf16>
    %slice3A_149 = vector.extract_strided_slice %convert_element_type3A_14 {offsets = [640, 0], sizes = [128, 128], strides = [1, 1]} : vector<3200x128xbf16> to vector<128x128xbf16>
    %dot_general3A_150 = arith.constant dense<0.000000e+00> : vector<128x128xf32>
    %dot_general3A_151 = tpu.matmul %convert_element_type3A_148, %slice3A_149, %dot_general3A_150 {dimension_numbers = #tpu.dot_dimension_numbers<[1], [0], [0], [1], [0, 0, 1, 1], [], []>, transpose_lhs_hint = false} : vector<128x128xbf16>, vector<128x128xbf16>, vector<128x128xf32> -> vector<128x128xf32>
    %eq3A_152 = vector.broadcast %slice3A_139 : vector<1x1xi32> to vector<128x1xi32>
    %eq3A_153 = arith.cmpi eq, %slice3A_141, %eq3A_152 : vector<128x1xi32>
    %convert_element_type3A_154 = arith.extui %eq3A_153 : vector<128x1xi1> to vector<128x1xi32>
    %convert_element_type3A_155 = arith.sitofp %convert_element_type3A_154 : vector<128x1xi32> to vector<128x1xf32>
    %mul3A_156 = vector.broadcast %convert_element_type3A_155 : vector<128x1xf32> to vector<128x128xf32>
    %mul3A_157 = vector.broadcast %slice3A_138 : vector<1x128xf32> to vector<128x128xf32>
    %mul3A_158 = arith.mulf %mul3A_156, %mul3A_157 : vector<128x128xf32>
    %add3A_159 = arith.addf %dot_general3A_151, %mul3A_158 : vector<128x128xf32>
    %swap3A_160 = arith.constant 640 : index
    %swap3A_161 = arith.constant 0 : index
    %swap3A_162 = vector.load %arg4[%swap3A_160, %swap3A_161] : memref<3200x128xf32, #tpu.memory_space<vmem>>, vector<128x128xf32>
    tpu.vector_store %arg4[%swap3A_160, %swap3A_161], %add3A_159 {strides = array<i32>} : memref<3200x128xf32, #tpu.memory_space<vmem>>, vector<128x128xf32>,
    %slice3A_163 = vector.extract_strided_slice %add3A_159 {offsets = [127, 0], sizes = [1, 128], strides = [1, 1]} : vector<128x128xf32> to vector<1x128xf32>
    %slice3A_164 = vector.extract_strided_slice %slice3A_141 {offsets = [127, 0], sizes = [1, 1], strides = [1, 1]} : vector<128x1xi32> to vector<1x1xi32>
    %slice3A_165 = vector.extract_strided_slice %get3A_3 {offsets = [0, 768], sizes = [1, 128], strides = [1, 1]} : vector<1x3200xi32> to vector<1x128xi32>
    %slice3A_166 = vector.extract_strided_slice %transpose3A {offsets = [768, 0], sizes = [128, 1], strides = [1, 1]} : vector<3200x1xi32> to vector<128x1xi32>
    %ge3A_167 = vector.broadcast %slice3A_165 : vector<1x128xi32> to vector<128x128xi32>
    %ge3A_168 = vector.broadcast %slice3A_166 : vector<128x1xi32> to vector<128x128xi32>
    %ge3A_169 = arith.cmpi sge, %ge3A_167, %ge3A_168 : vector<128x128xi32>
    %and3A_170 = arith.andi %le3A, %ge3A_169 : vector<128x128xi1>
    %convert_element_type3A_171 = arith.extui %and3A_170 : vector<128x128xi1> to vector<128x128xi32>
    %convert_element_type3A_172 = arith.sitofp %convert_element_type3A_171 : vector<128x128xi32> to vector<128x128xf32>
    %convert_element_type3A_173 = arith.truncf %convert_element_type3A_172 : vector<128x128xf32> to vector<128x128xbf16>
    %slice3A_174 = vector.extract_strided_slice %convert_element_type3A_14 {offsets = [768, 0], sizes = [128, 128], strides = [1, 1]} : vector<3200x128xbf16> to vector<128x128xbf16>
    %dot_general3A_175 = arith.constant dense<0.000000e+00> : vector<128x128xf32>
    %dot_general3A_176 = tpu.matmul %convert_element_type3A_173, %slice3A_174, %dot_general3A_175 {dimension_numbers = #tpu.dot_dimension_numbers<[1], [0], [0], [1], [0, 0, 1, 1], [], []>, transpose_lhs_hint = false} : vector<128x128xbf16>, vector<128x128xbf16>, vector<128x128xf32> -> vector<128x128xf32>
    %eq3A_177 = vector.broadcast %slice3A_164 : vector<1x1xi32> to vector<128x1xi32>
    %eq3A_178 = arith.cmpi eq, %slice3A_166, %eq3A_177 : vector<128x1xi32>
    %convert_element_type3A_179 = arith.extui %eq3A_178 : vector<128x1xi1> to vector<128x1xi32>
    %convert_element_type3A_180 = arith.sitofp %convert_element_type3A_179 : vector<128x1xi32> to vector<128x1xf32>
    %mul3A_181 = vector.broadcast %convert_element_type3A_180 : vector<128x1xf32> to vector<128x128xf32>
    %mul3A_182 = vector.broadcast %slice3A_163 : vector<1x128xf32> to vector<128x128xf32>
    %mul3A_183 = arith.mulf %mul3A_181, %mul3A_182 : vector<128x128xf32>
    %add3A_184 = arith.addf %dot_general3A_176, %mul3A_183 : vector<128x128xf32>
    %swap3A_185 = arith.constant 768 : index
    %swap3A_186 = arith.constant 0 : index
    %swap3A_187 = vector.load %arg4[%swap3A_185, %swap3A_186] : memref<3200x128xf32, #tpu.memory_space<vmem>>, vector<128x128xf32>
    tpu.vector_store %arg4[%swap3A_185, %swap3A_186], %add3A_184 {strides = array<i32>} : memref<3200x128xf32, #tpu.memory_space<vmem>>, vector<128x128xf32>,
    %slice3A_188 = vector.extract_strided_slice %add3A_184 {offsets = [127, 0], sizes = [1, 128], strides = [1, 1]} : vector<128x128xf32> to vector<1x128xf32>
    %slice3A_189 = vector.extract_strided_slice %slice3A_166 {offsets = [127, 0], sizes = [1, 1], strides = [1, 1]} : vector<128x1xi32> to vector<1x1xi32>
    %slice3A_190 = vector.extract_strided_slice %get3A_3 {offsets = [0, 896], sizes = [1, 128], strides = [1, 1]} : vector<1x3200xi32> to vector<1x128xi32>
    %slice3A_191 = vector.extract_strided_slice %transpose3A {offsets = [896, 0], sizes = [128, 1], strides = [1, 1]} : vector<3200x1xi32> to vector<128x1xi32>
    %ge3A_192 = vector.broadcast %slice3A_190 : vector<1x128xi32> to vector<128x128xi32>
    %ge3A_193 = vector.broadcast %slice3A_191 : vector<128x1xi32> to vector<128x128xi32>
    %ge3A_194 = arith.cmpi sge, %ge3A_192, %ge3A_193 : vector<128x128xi32>
    %and3A_195 = arith.andi %le3A, %ge3A_194 : vector<128x128xi1>
    %convert_element_type3A_196 = arith.extui %and3A_195 : vector<128x128xi1> to vector<128x128xi32>
    %convert_element_type3A_197 = arith.sitofp %convert_element_type3A_196 : vector<128x128xi32> to vector<128x128xf32>
    %convert_element_type3A_198 = arith.truncf %convert_element_type3A_197 : vector<128x128xf32> to vector<128x128xbf16>
    %slice3A_199 = vector.extract_strided_slice %convert_element_type3A_14 {offsets = [896, 0], sizes = [128, 128], strides = [1, 1]} : vector<3200x128xbf16> to vector<128x128xbf16>
    %dot_general3A_200 = arith.constant dense<0.000000e+00> : vector<128x128xf32>
    %dot_general3A_201 = tpu.matmul %convert_element_type3A_198, %slice3A_199, %dot_general3A_200 {dimension_numbers = #tpu.dot_dimension_numbers<[1], [0], [0], [1], [0, 0, 1, 1], [], []>, transpose_lhs_hint = false} : vector<128x128xbf16>, vector<128x128xbf16>, vector<128x128xf32> -> vector<128x128xf32>
    %eq3A_202 = vector.broadcast %slice3A_189 : vector<1x1xi32> to vector<128x1xi32>
    %eq3A_203 = arith.cmpi eq, %slice3A_191, %eq3A_202 : vector<128x1xi32>
    %convert_element_type3A_204 = arith.extui %eq3A_203 : vector<128x1xi1> to vector<128x1xi32>
    %convert_element_type3A_205 = arith.sitofp %convert_element_type3A_204 : vector<128x1xi32> to vector<128x1xf32>
    %mul3A_206 = vector.broadcast %convert_element_type3A_205 : vector<128x1xf32> to vector<128x128xf32>
    %mul3A_207 = vector.broadcast %slice3A_188 : vector<1x128xf32> to vector<128x128xf32>
    %mul3A_208 = arith.mulf %mul3A_206, %mul3A_207 : vector<128x128xf32>
    %add3A_209 = arith.addf %dot_general3A_201, %mul3A_208 : vector<128x128xf32>
    %swap3A_210 = arith.constant 896 : index
    %swap3A_211 = arith.constant 0 : index
    %swap3A_212 = vector.load %arg4[%swap3A_210, %swap3A_211] : memref<3200x128xf32, #tpu.memory_space<vmem>>, vector<128x128xf32>
    tpu.vector_store %arg4[%swap3A_210, %swap3A_211], %add3A_209 {strides = array<i32>} : memref<3200x128xf32, #tpu.memory_space<vmem>>, vector<128x128xf32>,
    %slice3A_213 = vector.extract_strided_slice %add3A_209 {offsets = [127, 0], sizes = [1, 128], strides = [1, 1]} : vector<128x128xf32> to vector<1x128xf32>
    %slice3A_214 = vector.extract_strided_slice %slice3A_191 {offsets = [127, 0], sizes = [1, 1], strides = [1, 1]} : vector<128x1xi32> to vector<1x1xi32>
    %slice3A_215 = vector.extract_strided_slice %get3A_3 {offsets = [0, 1024], sizes = [1, 128], strides = [1, 1]} : vector<1x3200xi32> to vector<1x128xi32>
    %slice3A_216 = vector.extract_strided_slice %transpose3A {offsets = [1024, 0], sizes = [128, 1], strides = [1, 1]} : vector<3200x1xi32> to vector<128x1xi32>
    %ge3A_217 = vector.broadcast %slice3A_215 : vector<1x128xi32> to vector<128x128xi32>
    %ge3A_218 = vector.broadcast %slice3A_216 : vector<128x1xi32> to vector<128x128xi32>
    %ge3A_219 = arith.cmpi sge, %ge3A_217, %ge3A_218 : vector<128x128xi32>
    %and3A_220 = arith.andi %le3A, %ge3A_219 : vector<128x128xi1>
    %convert_element_type3A_221 = arith.extui %and3A_220 : vector<128x128xi1> to vector<128x128xi32>
    %convert_element_type3A_222 = arith.sitofp %convert_element_type3A_221 : vector<128x128xi32> to vector<128x128xf32>
    %convert_element_type3A_223 = arith.truncf %convert_element_type3A_222 : vector<128x128xf32> to vector<128x128xbf16>
    %slice3A_224 = vector.extract_strided_slice %convert_element_type3A_14 {offsets = [1024, 0], sizes = [128, 128], strides = [1, 1]} : vector<3200x128xbf16> to vector<128x128xbf16>
    %dot_general3A_225 = arith.constant dense<0.000000e+00> : vector<128x128xf32>
    %dot_general3A_226 = tpu.matmul %convert_element_type3A_223, %slice3A_224, %dot_general3A_225 {dimension_numbers = #tpu.dot_dimension_numbers<[1], [0], [0], [1], [0, 0, 1, 1], [], []>, transpose_lhs_hint = false} : vector<128x128xbf16>, vector<128x128xbf16>, vector<128x128xf32> -> vector<128x128xf32>
    %eq3A_227 = vector.broadcast %slice3A_214 : vector<1x1xi32> to vector<128x1xi32>
    %eq3A_228 = arith.cmpi eq, %slice3A_216, %eq3A_227 : vector<128x1xi32>
    %convert_element_type3A_229 = arith.extui %eq3A_228 : vector<128x1xi1> to vector<128x1xi32>
    %convert_element_type3A_230 = arith.sitofp %convert_element_type3A_229 : vector<128x1xi32> to vector<128x1xf32>
    %mul3A_231 = vector.broadcast %convert_element_type3A_230 : vector<128x1xf32> to vector<128x128xf32>
    %mul3A_232 = vector.broadcast %slice3A_213 : vector<1x128xf32> to vector<128x128xf32>
    %mul3A_233 = arith.mulf %mul3A_231, %mul3A_232 : vector<128x128xf32>
    %add3A_234 = arith.addf %dot_general3A_226, %mul3A_233 : vector<128x128xf32>
    %swap3A_235 = arith.constant 1024 : index
    %swap3A_236 = arith.constant 0 : index
    %swap3A_237 = vector.load %arg4[%swap3A_235, %swap3A_236] : memref<3200x128xf32, #tpu.memory_space<vmem>>, vector<128x128xf32>
    tpu.vector_store %arg4[%swap3A_235, %swap3A_236], %add3A_234 {strides = array<i32>} : memref<3200x128xf32, #tpu.memory_space<vmem>>, vector<128x128xf32>,
    %slice3A_238 = vector.extract_strided_slice %add3A_234 {offsets = [127, 0], sizes = [1, 128], strides = [1, 1]} : vector<128x128xf32> to vector<1x128xf32>
    %slice3A_239 = vector.extract_strided_slice %slice3A_216 {offsets = [127, 0], sizes = [1, 1], strides = [1, 1]} : vector<128x1xi32> to vector<1x1xi32>
    %slice3A_240 = vector.extract_strided_slice %get3A_3 {offsets = [0, 1152], sizes = [1, 128], strides = [1, 1]} : vector<1x3200xi32> to vector<1x128xi32>
    %slice3A_241 = vector.extract_strided_slice %transpose3A {offsets = [1152, 0], sizes = [128, 1], strides = [1, 1]} : vector<3200x1xi32> to vector<128x1xi32>
    %ge3A_242 = vector.broadcast %slice3A_240 : vector<1x128xi32> to vector<128x128xi32>
    %ge3A_243 = vector.broadcast %slice3A_241 : vector<128x1xi32> to vector<128x128xi32>
    %ge3A_244 = arith.cmpi sge, %ge3A_242, %ge3A_243 : vector<128x128xi32>
    %and3A_245 = arith.andi %le3A, %ge3A_244 : vector<128x128xi1>
    %convert_element_type3A_246 = arith.extui %and3A_245 : vector<128x128xi1> to vector<128x128xi32>
    %convert_element_type3A_247 = arith.sitofp %convert_element_type3A_246 : vector<128x128xi32> to vector<128x128xf32>
    %convert_element_type3A_248 = arith.truncf %convert_element_type3A_247 : vector<128x128xf32> to vector<128x128xbf16>
    %slice3A_249 = vector.extract_strided_slice %convert_element_type3A_14 {offsets = [1152, 0], sizes = [128, 128], strides = [1, 1]} : vector<3200x128xbf16> to vector<128x128xbf16>
    %dot_general3A_250 = arith.constant dense<0.000000e+00> : vector<128x128xf32>
    %dot_general3A_251 = tpu.matmul %convert_element_type3A_248, %slice3A_249, %dot_general3A_250 {dimension_numbers = #tpu.dot_dimension_numbers<[1], [0], [0], [1], [0, 0, 1, 1], [], []>, transpose_lhs_hint = false} : vector<128x128xbf16>, vector<128x128xbf16>, vector<128x128xf32> -> vector<128x128xf32>
    %eq3A_252 = vector.broadcast %slice3A_239 : vector<1x1xi32> to vector<128x1xi32>
    %eq3A_253 = arith.cmpi eq, %slice3A_241, %eq3A_252 : vector<128x1xi32>
    %convert_element_type3A_254 = arith.extui %eq3A_253 : vector<128x1xi1> to vector<128x1xi32>
    %convert_element_type3A_255 = arith.sitofp %convert_element_type3A_254 : vector<128x1xi32> to vector<128x1xf32>
    %mul3A_256 = vector.broadcast %convert_element_type3A_255 : vector<128x1xf32> to vector<128x128xf32>
    %mul3A_257 = vector.broadcast %slice3A_238 : vector<1x128xf32> to vector<128x128xf32>
    %mul3A_258 = arith.mulf %mul3A_256, %mul3A_257 : vector<128x128xf32>
    %add3A_259 = arith.addf %dot_general3A_251, %mul3A_258 : vector<128x128xf32>
    %swap3A_260 = arith.constant 1152 : index
    %swap3A_261 = arith.constant 0 : index
    %swap3A_262 = vector.load %arg4[%swap3A_260, %swap3A_261] : memref<3200x128xf32, #tpu.memory_space<vmem>>, vector<128x128xf32>
    tpu.vector_store %arg4[%swap3A_260, %swap3A_261], %add3A_259 {strides = array<i32>} : memref<3200x128xf32, #tpu.memory_space<vmem>>, vector<128x128xf32>,
    %slice3A_263 = vector.extract_strided_slice %add3A_259 {offsets = [127, 0], sizes = [1, 128], strides = [1, 1]} : vector<128x128xf32> to vector<1x128xf32>
    %slice3A_264 = vector.extract_strided_slice %slice3A_241 {offsets = [127, 0], sizes = [1, 1], strides = [1, 1]} : vector<128x1xi32> to vector<1x1xi32>
    %slice3A_265 = vector.extract_strided_slice %get3A_3 {offsets = [0, 1280], sizes = [1, 128], strides = [1, 1]} : vector<1x3200xi32> to vector<1x128xi32>
    %slice3A_266 = vector.extract_strided_slice %transpose3A {offsets = [1280, 0], sizes = [128, 1], strides = [1, 1]} : vector<3200x1xi32> to vector<128x1xi32>
    %ge3A_267 = vector.broadcast %slice3A_265 : vector<1x128xi32> to vector<128x128xi32>
    %ge3A_268 = vector.broadcast %slice3A_266 : vector<128x1xi32> to vector<128x128xi32>
    %ge3A_269 = arith.cmpi sge, %ge3A_267, %ge3A_268 : vector<128x128xi32>
    %and3A_270 = arith.andi %le3A, %ge3A_269 : vector<128x128xi1>
    %convert_element_type3A_271 = arith.extui %and3A_270 : vector<128x128xi1> to vector<128x128xi32>
    %convert_element_type3A_272 = arith.sitofp %convert_element_type3A_271 : vector<128x128xi32> to vector<128x128xf32>
    %convert_element_type3A_273 = arith.truncf %convert_element_type3A_272 : vector<128x128xf32> to vector<128x128xbf16>
    %slice3A_274 = vector.extract_strided_slice %convert_element_type3A_14 {offsets = [1280, 0], sizes = [128, 128], strides = [1, 1]} : vector<3200x128xbf16> to vector<128x128xbf16>
    %dot_general3A_275 = arith.constant dense<0.000000e+00> : vector<128x128xf32>
    %dot_general3A_276 = tpu.matmul %convert_element_type3A_273, %slice3A_274, %dot_general3A_275 {dimension_numbers = #tpu.dot_dimension_numbers<[1], [0], [0], [1], [0, 0, 1, 1], [], []>, transpose_lhs_hint = false} : vector<128x128xbf16>, vector<128x128xbf16>, vector<128x128xf32> -> vector<128x128xf32>
    %eq3A_277 = vector.broadcast %slice3A_264 : vector<1x1xi32> to vector<128x1xi32>
    %eq3A_278 = arith.cmpi eq, %slice3A_266, %eq3A_277 : vector<128x1xi32>
    %convert_element_type3A_279 = arith.extui %eq3A_278 : vector<128x1xi1> to vector<128x1xi32>
    %convert_element_type3A_280 = arith.sitofp %convert_element_type3A_279 : vector<128x1xi32> to vector<128x1xf32>
    %mul3A_281 = vector.broadcast %convert_element_type3A_280 : vector<128x1xf32> to vector<128x128xf32>
    %mul3A_282 = vector.broadcast %slice3A_263 : vector<1x128xf32> to vector<128x128xf32>
    %mul3A_283 = arith.mulf %mul3A_281, %mul3A_282 : vector<128x128xf32>
    %add3A_284 = arith.addf %dot_general3A_276, %mul3A_283 : vector<128x128xf32>
    %swap3A_285 = arith.constant 1280 : index
    %swap3A_286 = arith.constant 0 : index
    %swap3A_287 = vector.load %arg4[%swap3A_285, %swap3A_286] : memref<3200x128xf32, #tpu.memory_space<vmem>>, vector<128x128xf32>
    tpu.vector_store %arg4[%swap3A_285, %swap3A_286], %add3A_284 {strides = array<i32>} : memref<3200x128xf32, #tpu.memory_space<vmem>>, vector<128x128xf32>,
    %slice3A_288 = vector.extract_strided_slice %add3A_284 {offsets = [127, 0], sizes = [1, 128], strides = [1, 1]} : vector<128x128xf32> to vector<1x128xf32>
    %slice3A_289 = vector.extract_strided_slice %slice3A_266 {offsets = [127, 0], sizes = [1, 1], strides = [1, 1]} : vector<128x1xi32> to vector<1x1xi32>
    %slice3A_290 = vector.extract_strided_slice %get3A_3 {offsets = [0, 1408], sizes = [1, 128], strides = [1, 1]} : vector<1x3200xi32> to vector<1x128xi32>
    %slice3A_291 = vector.extract_strided_slice %transpose3A {offsets = [1408, 0], sizes = [128, 1], strides = [1, 1]} : vector<3200x1xi32> to vector<128x1xi32>
    %ge3A_292 = vector.broadcast %slice3A_290 : vector<1x128xi32> to vector<128x128xi32>
    %ge3A_293 = vector.broadcast %slice3A_291 : vector<128x1xi32> to vector<128x128xi32>
    %ge3A_294 = arith.cmpi sge, %ge3A_292, %ge3A_293 : vector<128x128xi32>
    %and3A_295 = arith.andi %le3A, %ge3A_294 : vector<128x128xi1>
    %convert_element_type3A_296 = arith.extui %and3A_295 : vector<128x128xi1> to vector<128x128xi32>
    %convert_element_type3A_297 = arith.sitofp %convert_element_type3A_296 : vector<128x128xi32> to vector<128x128xf32>
    %convert_element_type3A_298 = arith.truncf %convert_element_type3A_297 : vector<128x128xf32> to vector<128x128xbf16>
    %slice3A_299 = vector.extract_strided_slice %convert_element_type3A_14 {offsets = [1408, 0], sizes = [128, 128], strides = [1, 1]} : vector<3200x128xbf16> to vector<128x128xbf16>
    %dot_general3A_300 = arith.constant dense<0.000000e+00> : vector<128x128xf32>
    %dot_general3A_301 = tpu.matmul %convert_element_type3A_298, %slice3A_299, %dot_general3A_300 {dimension_numbers = #tpu.dot_dimension_numbers<[1], [0], [0], [1], [0, 0, 1, 1], [], []>, transpose_lhs_hint = false} : vector<128x128xbf16>, vector<128x128xbf16>, vector<128x128xf32> -> vector<128x128xf32>
    %eq3A_302 = vector.broadcast %slice3A_289 : vector<1x1xi32> to vector<128x1xi32>
    %eq3A_303 = arith.cmpi eq, %slice3A_291, %eq3A_302 : vector<128x1xi32>
    %convert_element_type3A_304 = arith.extui %eq3A_303 : vector<128x1xi1> to vector<128x1xi32>
    %convert_element_type3A_305 = arith.sitofp %convert_element_type3A_304 : vector<128x1xi32> to vector<128x1xf32>
    %mul3A_306 = vector.broadcast %convert_element_type3A_305 : vector<128x1xf32> to vector<128x128xf32>
    %mul3A_307 = vector.broadcast %slice3A_288 : vector<1x128xf32> to vector<128x128xf32>
    %mul3A_308 = arith.mulf %mul3A_306, %mul3A_307 : vector<128x128xf32>
    %add3A_309 = arith.addf %dot_general3A_301, %mul3A_308 : vector<128x128xf32>
    %swap3A_310 = arith.constant 1408 : index
    %swap3A_311 = arith.constant 0 : index
    %swap3A_312 = vector.load %arg4[%swap3A_310, %swap3A_311] : memref<3200x128xf32, #tpu.memory_space<vmem>>, vector<128x128xf32>
    tpu.vector_store %arg4[%swap3A_310, %swap3A_311], %add3A_309 {strides = array<i32>} : memref<3200x128xf32, #tpu.memory_space<vmem>>, vector<128x128xf32>,
    %slice3A_313 = vector.extract_strided_slice %add3A_309 {offsets = [127, 0], sizes = [1, 128], strides = [1, 1]} : vector<128x128xf32> to vector<1x128xf32>
    %slice3A_314 = vector.extract_strided_slice %slice3A_291 {offsets = [127, 0], sizes = [1, 1], strides = [1, 1]} : vector<128x1xi32> to vector<1x1xi32>
    %slice3A_315 = vector.extract_strided_slice %get3A_3 {offsets = [0, 1536], sizes = [1, 128], strides = [1, 1]} : vector<1x3200xi32> to vector<1x128xi32>
    %slice3A_316 = vector.extract_strided_slice %transpose3A {offsets = [1536, 0], sizes = [128, 1], strides = [1, 1]} : vector<3200x1xi32> to vector<128x1xi32>
    %ge3A_317 = vector.broadcast %slice3A_315 : vector<1x128xi32> to vector<128x128xi32>
    %ge3A_318 = vector.broadcast %slice3A_316 : vector<128x1xi32> to vector<128x128xi32>
    %ge3A_319 = arith.cmpi sge, %ge3A_317, %ge3A_318 : vector<128x128xi32>
    %and3A_320 = arith.andi %le3A, %ge3A_319 : vector<128x128xi1>
    %convert_element_type3A_321 = arith.extui %and3A_320 : vector<128x128xi1> to vector<128x128xi32>
    %convert_element_type3A_322 = arith.sitofp %convert_element_type3A_321 : vector<128x128xi32> to vector<128x128xf32>
    %convert_element_type3A_323 = arith.truncf %convert_element_type3A_322 : vector<128x128xf32> to vector<128x128xbf16>
    %slice3A_324 = vector.extract_strided_slice %convert_element_type3A_14 {offsets = [1536, 0], sizes = [128, 128], strides = [1, 1]} : vector<3200x128xbf16> to vector<128x128xbf16>
    %dot_general3A_325 = arith.constant dense<0.000000e+00> : vector<128x128xf32>
    %dot_general3A_326 = tpu.matmul %convert_element_type3A_323, %slice3A_324, %dot_general3A_325 {dimension_numbers = #tpu.dot_dimension_numbers<[1], [0], [0], [1], [0, 0, 1, 1], [], []>, transpose_lhs_hint = false} : vector<128x128xbf16>, vector<128x128xbf16>, vector<128x128xf32> -> vector<128x128xf32>
    %eq3A_327 = vector.broadcast %slice3A_314 : vector<1x1xi32> to vector<128x1xi32>
    %eq3A_328 = arith.cmpi eq, %slice3A_316, %eq3A_327 : vector<128x1xi32>
    %convert_element_type3A_329 = arith.extui %eq3A_328 : vector<128x1xi1> to vector<128x1xi32>
    %convert_element_type3A_330 = arith.sitofp %convert_element_type3A_329 : vector<128x1xi32> to vector<128x1xf32>
    %mul3A_331 = vector.broadcast %convert_element_type3A_330 : vector<128x1xf32> to vector<128x128xf32>
    %mul3A_332 = vector.broadcast %slice3A_313 : vector<1x128xf32> to vector<128x128xf32>
    %mul3A_333 = arith.mulf %mul3A_331, %mul3A_332 : vector<128x128xf32>
    %add3A_334 = arith.addf %dot_general3A_326, %mul3A_333 : vector<128x128xf32>
    %swap3A_335 = arith.constant 1536 : index
    %swap3A_336 = arith.constant 0 : index
    %swap3A_337 = vector.load %arg4[%swap3A_335, %swap3A_336] : memref<3200x128xf32, #tpu.memory_space<vmem>>, vector<128x128xf32>
    tpu.vector_store %arg4[%swap3A_335, %swap3A_336], %add3A_334 {strides = array<i32>} : memref<3200x128xf32, #tpu.memory_space<vmem>>, vector<128x128xf32>,
    %slice3A_338 = vector.extract_strided_slice %add3A_334 {offsets = [127, 0], sizes = [1, 128], strides = [1, 1]} : vector<128x128xf32> to vector<1x128xf32>
    %slice3A_339 = vector.extract_strided_slice %slice3A_316 {offsets = [127, 0], sizes = [1, 1], strides = [1, 1]} : vector<128x1xi32> to vector<1x1xi32>
    %slice3A_340 = vector.extract_strided_slice %get3A_3 {offsets = [0, 1664], sizes = [1, 128], strides = [1, 1]} : vector<1x3200xi32> to vector<1x128xi32>
    %slice3A_341 = vector.extract_strided_slice %transpose3A {offsets = [1664, 0], sizes = [128, 1], strides = [1, 1]} : vector<3200x1xi32> to vector<128x1xi32>
    %ge3A_342 = vector.broadcast %slice3A_340 : vector<1x128xi32> to vector<128x128xi32>
    %ge3A_343 = vector.broadcast %slice3A_341 : vector<128x1xi32> to vector<128x128xi32>
    %ge3A_344 = arith.cmpi sge, %ge3A_342, %ge3A_343 : vector<128x128xi32>
    %and3A_345 = arith.andi %le3A, %ge3A_344 : vector<128x128xi1>
    %convert_element_type3A_346 = arith.extui %and3A_345 : vector<128x128xi1> to vector<128x128xi32>
    %convert_element_type3A_347 = arith.sitofp %convert_element_type3A_346 : vector<128x128xi32> to vector<128x128xf32>
    %convert_element_type3A_348 = arith.truncf %convert_element_type3A_347 : vector<128x128xf32> to vector<128x128xbf16>
    %slice3A_349 = vector.extract_strided_slice %convert_element_type3A_14 {offsets = [1664, 0], sizes = [128, 128], strides = [1, 1]} : vector<3200x128xbf16> to vector<128x128xbf16>
    %dot_general3A_350 = arith.constant dense<0.000000e+00> : vector<128x128xf32>
    %dot_general3A_351 = tpu.matmul %convert_element_type3A_348, %slice3A_349, %dot_general3A_350 {dimension_numbers = #tpu.dot_dimension_numbers<[1], [0], [0], [1], [0, 0, 1, 1], [], []>, transpose_lhs_hint = false} : vector<128x128xbf16>, vector<128x128xbf16>, vector<128x128xf32> -> vector<128x128xf32>
    %eq3A_352 = vector.broadcast %slice3A_339 : vector<1x1xi32> to vector<128x1xi32>
    %eq3A_353 = arith.cmpi eq, %slice3A_341, %eq3A_352 : vector<128x1xi32>
    %convert_element_type3A_354 = arith.extui %eq3A_353 : vector<128x1xi1> to vector<128x1xi32>
    %convert_element_type3A_355 = arith.sitofp %convert_element_type3A_354 : vector<128x1xi32> to vector<128x1xf32>
    %mul3A_356 = vector.broadcast %convert_element_type3A_355 : vector<128x1xf32> to vector<128x128xf32>
    %mul3A_357 = vector.broadcast %slice3A_338 : vector<1x128xf32> to vector<128x128xf32>
    %mul3A_358 = arith.mulf %mul3A_356, %mul3A_357 : vector<128x128xf32>
    %add3A_359 = arith.addf %dot_general3A_351, %mul3A_358 : vector<128x128xf32>
    %swap3A_360 = arith.constant 1664 : index
    %swap3A_361 = arith.constant 0 : index
    %swap3A_362 = vector.load %arg4[%swap3A_360, %swap3A_361] : memref<3200x128xf32, #tpu.memory_space<vmem>>, vector<128x128xf32>
    tpu.vector_store %arg4[%swap3A_360, %swap3A_361], %add3A_359 {strides = array<i32>} : memref<3200x128xf32, #tpu.memory_space<vmem>>, vector<128x128xf32>,
    %slice3A_363 = vector.extract_strided_slice %add3A_359 {offsets = [127, 0], sizes = [1, 128], strides = [1, 1]} : vector<128x128xf32> to vector<1x128xf32>
    %slice3A_364 = vector.extract_strided_slice %slice3A_341 {offsets = [127, 0], sizes = [1, 1], strides = [1, 1]} : vector<128x1xi32> to vector<1x1xi32>
    %slice3A_365 = vector.extract_strided_slice %get3A_3 {offsets = [0, 1792], sizes = [1, 128], strides = [1, 1]} : vector<1x3200xi32> to vector<1x128xi32>
    %slice3A_366 = vector.extract_strided_slice %transpose3A {offsets = [1792, 0], sizes = [128, 1], strides = [1, 1]} : vector<3200x1xi32> to vector<128x1xi32>
    %ge3A_367 = vector.broadcast %slice3A_365 : vector<1x128xi32> to vector<128x128xi32>
    %ge3A_368 = vector.broadcast %slice3A_366 : vector<128x1xi32> to vector<128x128xi32>
    %ge3A_369 = arith.cmpi sge, %ge3A_367, %ge3A_368 : vector<128x128xi32>
    %and3A_370 = arith.andi %le3A, %ge3A_369 : vector<128x128xi1>
    %convert_element_type3A_371 = arith.extui %and3A_370 : vector<128x128xi1> to vector<128x128xi32>
    %convert_element_type3A_372 = arith.sitofp %convert_element_type3A_371 : vector<128x128xi32> to vector<128x128xf32>
    %convert_element_type3A_373 = arith.truncf %convert_element_type3A_372 : vector<128x128xf32> to vector<128x128xbf16>
    %slice3A_374 = vector.extract_strided_slice %convert_element_type3A_14 {offsets = [1792, 0], sizes = [128, 128], strides = [1, 1]} : vector<3200x128xbf16> to vector<128x128xbf16>
    %dot_general3A_375 = arith.constant dense<0.000000e+00> : vector<128x128xf32>
    %dot_general3A_376 = tpu.matmul %convert_element_type3A_373, %slice3A_374, %dot_general3A_375 {dimension_numbers = #tpu.dot_dimension_numbers<[1], [0], [0], [1], [0, 0, 1, 1], [], []>, transpose_lhs_hint = false} : vector<128x128xbf16>, vector<128x128xbf16>, vector<128x128xf32> -> vector<128x128xf32>
    %eq3A_377 = vector.broadcast %slice3A_364 : vector<1x1xi32> to vector<128x1xi32>
    %eq3A_378 = arith.cmpi eq, %slice3A_366, %eq3A_377 : vector<128x1xi32>
    %convert_element_type3A_379 = arith.extui %eq3A_378 : vector<128x1xi1> to vector<128x1xi32>
    %convert_element_type3A_380 = arith.sitofp %convert_element_type3A_379 : vector<128x1xi32> to vector<128x1xf32>
    %mul3A_381 = vector.broadcast %convert_element_type3A_380 : vector<128x1xf32> to vector<128x128xf32>
    %mul3A_382 = vector.broadcast %slice3A_363 : vector<1x128xf32> to vector<128x128xf32>
    %mul3A_383 = arith.mulf %mul3A_381, %mul3A_382 : vector<128x128xf32>
    %add3A_384 = arith.addf %dot_general3A_376, %mul3A_383 : vector<128x128xf32>
    %swap3A_385 = arith.constant 1792 : index
    %swap3A_386 = arith.constant 0 : index
    %swap3A_387 = vector.load %arg4[%swap3A_385, %swap3A_386] : memref<3200x128xf32, #tpu.memory_space<vmem>>, vector<128x128xf32>
    tpu.vector_store %arg4[%swap3A_385, %swap3A_386], %add3A_384 {strides = array<i32>} : memref<3200x128xf32, #tpu.memory_space<vmem>>, vector<128x128xf32>,
    %slice3A_388 = vector.extract_strided_slice %add3A_384 {offsets = [127, 0], sizes = [1, 128], strides = [1, 1]} : vector<128x128xf32> to vector<1x128xf32>
    %slice3A_389 = vector.extract_strided_slice %slice3A_366 {offsets = [127, 0], sizes = [1, 1], strides = [1, 1]} : vector<128x1xi32> to vector<1x1xi32>
    %slice3A_390 = vector.extract_strided_slice %get3A_3 {offsets = [0, 1920], sizes = [1, 128], strides = [1, 1]} : vector<1x3200xi32> to vector<1x128xi32>
    %slice3A_391 = vector.extract_strided_slice %transpose3A {offsets = [1920, 0], sizes = [128, 1], strides = [1, 1]} : vector<3200x1xi32> to vector<128x1xi32>
    %ge3A_392 = vector.broadcast %slice3A_390 : vector<1x128xi32> to vector<128x128xi32>
    %ge3A_393 = vector.broadcast %slice3A_391 : vector<128x1xi32> to vector<128x128xi32>
    %ge3A_394 = arith.cmpi sge, %ge3A_392, %ge3A_393 : vector<128x128xi32>
    %and3A_395 = arith.andi %le3A, %ge3A_394 : vector<128x128xi1>
    %convert_element_type3A_396 = arith.extui %and3A_395 : vector<128x128xi1> to vector<128x128xi32>
    %convert_element_type3A_397 = arith.sitofp %convert_element_type3A_396 : vector<128x128xi32> to vector<128x128xf32>
    %convert_element_type3A_398 = arith.truncf %convert_element_type3A_397 : vector<128x128xf32> to vector<128x128xbf16>
    %slice3A_399 = vector.extract_strided_slice %convert_element_type3A_14 {offsets = [1920, 0], sizes = [128, 128], strides = [1, 1]} : vector<3200x128xbf16> to vector<128x128xbf16>
    %dot_general3A_400 = arith.constant dense<0.000000e+00> : vector<128x128xf32>
    %dot_general3A_401 = tpu.matmul %convert_element_type3A_398, %slice3A_399, %dot_general3A_400 {dimension_numbers = #tpu.dot_dimension_numbers<[1], [0], [0], [1], [0, 0, 1, 1], [], []>, transpose_lhs_hint = false} : vector<128x128xbf16>, vector<128x128xbf16>, vector<128x128xf32> -> vector<128x128xf32>
    %eq3A_402 = vector.broadcast %slice3A_389 : vector<1x1xi32> to vector<128x1xi32>
    %eq3A_403 = arith.cmpi eq, %slice3A_391, %eq3A_402 : vector<128x1xi32>
    %convert_element_type3A_404 = arith.extui %eq3A_403 : vector<128x1xi1> to vector<128x1xi32>
    %convert_element_type3A_405 = arith.sitofp %convert_element_type3A_404 : vector<128x1xi32> to vector<128x1xf32>
    %mul3A_406 = vector.broadcast %convert_element_type3A_405 : vector<128x1xf32> to vector<128x128xf32>
    %mul3A_407 = vector.broadcast %slice3A_388 : vector<1x128xf32> to vector<128x128xf32>
    %mul3A_408 = arith.mulf %mul3A_406, %mul3A_407 : vector<128x128xf32>
    %add3A_409 = arith.addf %dot_general3A_401, %mul3A_408 : vector<128x128xf32>
    %swap3A_410 = arith.constant 1920 : index
    %swap3A_411 = arith.constant 0 : index
    %swap3A_412 = vector.load %arg4[%swap3A_410, %swap3A_411] : memref<3200x128xf32, #tpu.memory_space<vmem>>, vector<128x128xf32>
    tpu.vector_store %arg4[%swap3A_410, %swap3A_411], %add3A_409 {strides = array<i32>} : memref<3200x128xf32, #tpu.memory_space<vmem>>, vector<128x128xf32>,
    %slice3A_413 = vector.extract_strided_slice %add3A_409 {offsets = [127, 0], sizes = [1, 128], strides = [1, 1]} : vector<128x128xf32> to vector<1x128xf32>
    %slice3A_414 = vector.extract_strided_slice %slice3A_391 {offsets = [127, 0], sizes = [1, 1], strides = [1, 1]} : vector<128x1xi32> to vector<1x1xi32>
    %slice3A_415 = vector.extract_strided_slice %get3A_3 {offsets = [0, 2048], sizes = [1, 128], strides = [1, 1]} : vector<1x3200xi32> to vector<1x128xi32>
    %slice3A_416 = vector.extract_strided_slice %transpose3A {offsets = [2048, 0], sizes = [128, 1], strides = [1, 1]} : vector<3200x1xi32> to vector<128x1xi32>
    %ge3A_417 = vector.broadcast %slice3A_415 : vector<1x128xi32> to vector<128x128xi32>
    %ge3A_418 = vector.broadcast %slice3A_416 : vector<128x1xi32> to vector<128x128xi32>
    %ge3A_419 = arith.cmpi sge, %ge3A_417, %ge3A_418 : vector<128x128xi32>
    %and3A_420 = arith.andi %le3A, %ge3A_419 : vector<128x128xi1>
    %convert_element_type3A_421 = arith.extui %and3A_420 : vector<128x128xi1> to vector<128x128xi32>
    %convert_element_type3A_422 = arith.sitofp %convert_element_type3A_421 : vector<128x128xi32> to vector<128x128xf32>
    %convert_element_type3A_423 = arith.truncf %convert_element_type3A_422 : vector<128x128xf32> to vector<128x128xbf16>
    %slice3A_424 = vector.extract_strided_slice %convert_element_type3A_14 {offsets = [2048, 0], sizes = [128, 128], strides = [1, 1]} : vector<3200x128xbf16> to vector<128x128xbf16>
    %dot_general3A_425 = arith.constant dense<0.000000e+00> : vector<128x128xf32>
    %dot_general3A_426 = tpu.matmul %convert_element_type3A_423, %slice3A_424, %dot_general3A_425 {dimension_numbers = #tpu.dot_dimension_numbers<[1], [0], [0], [1], [0, 0, 1, 1], [], []>, transpose_lhs_hint = false} : vector<128x128xbf16>, vector<128x128xbf16>, vector<128x128xf32> -> vector<128x128xf32>
    %eq3A_427 = vector.broadcast %slice3A_414 : vector<1x1xi32> to vector<128x1xi32>
    %eq3A_428 = arith.cmpi eq, %slice3A_416, %eq3A_427 : vector<128x1xi32>
    %convert_element_type3A_429 = arith.extui %eq3A_428 : vector<128x1xi1> to vector<128x1xi32>
    %convert_element_type3A_430 = arith.sitofp %convert_element_type3A_429 : vector<128x1xi32> to vector<128x1xf32>
    %mul3A_431 = vector.broadcast %convert_element_type3A_430 : vector<128x1xf32> to vector<128x128xf32>
    %mul3A_432 = vector.broadcast %slice3A_413 : vector<1x128xf32> to vector<128x128xf32>
    %mul3A_433 = arith.mulf %mul3A_431, %mul3A_432 : vector<128x128xf32>
    %add3A_434 = arith.addf %dot_general3A_426, %mul3A_433 : vector<128x128xf32>
    %swap3A_435 = arith.constant 2048 : index
    %swap3A_436 = arith.constant 0 : index
    %swap3A_437 = vector.load %arg4[%swap3A_435, %swap3A_436] : memref<3200x128xf32, #tpu.memory_space<vmem>>, vector<128x128xf32>
    tpu.vector_store %arg4[%swap3A_435, %swap3A_436], %add3A_434 {strides = array<i32>} : memref<3200x128xf32, #tpu.memory_space<vmem>>, vector<128x128xf32>,
    %slice3A_438 = vector.extract_strided_slice %add3A_434 {offsets = [127, 0], sizes = [1, 128], strides = [1, 1]} : vector<128x128xf32> to vector<1x128xf32>
    %slice3A_439 = vector.extract_strided_slice %slice3A_416 {offsets = [127, 0], sizes = [1, 1], strides = [1, 1]} : vector<128x1xi32> to vector<1x1xi32>
    %slice3A_440 = vector.extract_strided_slice %get3A_3 {offsets = [0, 2176], sizes = [1, 128], strides = [1, 1]} : vector<1x3200xi32> to vector<1x128xi32>
    %slice3A_441 = vector.extract_strided_slice %transpose3A {offsets = [2176, 0], sizes = [128, 1], strides = [1, 1]} : vector<3200x1xi32> to vector<128x1xi32>
    %ge3A_442 = vector.broadcast %slice3A_440 : vector<1x128xi32> to vector<128x128xi32>
    %ge3A_443 = vector.broadcast %slice3A_441 : vector<128x1xi32> to vector<128x128xi32>
    %ge3A_444 = arith.cmpi sge, %ge3A_442, %ge3A_443 : vector<128x128xi32>
    %and3A_445 = arith.andi %le3A, %ge3A_444 : vector<128x128xi1>
    %convert_element_type3A_446 = arith.extui %and3A_445 : vector<128x128xi1> to vector<128x128xi32>
    %convert_element_type3A_447 = arith.sitofp %convert_element_type3A_446 : vector<128x128xi32> to vector<128x128xf32>
    %convert_element_type3A_448 = arith.truncf %convert_element_type3A_447 : vector<128x128xf32> to vector<128x128xbf16>
    %slice3A_449 = vector.extract_strided_slice %convert_element_type3A_14 {offsets = [2176, 0], sizes = [128, 128], strides = [1, 1]} : vector<3200x128xbf16> to vector<128x128xbf16>
    %dot_general3A_450 = arith.constant dense<0.000000e+00> : vector<128x128xf32>
    %dot_general3A_451 = tpu.matmul %convert_element_type3A_448, %slice3A_449, %dot_general3A_450 {dimension_numbers = #tpu.dot_dimension_numbers<[1], [0], [0], [1], [0, 0, 1, 1], [], []>, transpose_lhs_hint = false} : vector<128x128xbf16>, vector<128x128xbf16>, vector<128x128xf32> -> vector<128x128xf32>
    %eq3A_452 = vector.broadcast %slice3A_439 : vector<1x1xi32> to vector<128x1xi32>
    %eq3A_453 = arith.cmpi eq, %slice3A_441, %eq3A_452 : vector<128x1xi32>
    %convert_element_type3A_454 = arith.extui %eq3A_453 : vector<128x1xi1> to vector<128x1xi32>
    %convert_element_type3A_455 = arith.sitofp %convert_element_type3A_454 : vector<128x1xi32> to vector<128x1xf32>
    %mul3A_456 = vector.broadcast %convert_element_type3A_455 : vector<128x1xf32> to vector<128x128xf32>
    %mul3A_457 = vector.broadcast %slice3A_438 : vector<1x128xf32> to vector<128x128xf32>
    %mul3A_458 = arith.mulf %mul3A_456, %mul3A_457 : vector<128x128xf32>
    %add3A_459 = arith.addf %dot_general3A_451, %mul3A_458 : vector<128x128xf32>
    %swap3A_460 = arith.constant 2176 : index
    %swap3A_461 = arith.constant 0 : index
    %swap3A_462 = vector.load %arg4[%swap3A_460, %swap3A_461] : memref<3200x128xf32, #tpu.memory_space<vmem>>, vector<128x128xf32>
    tpu.vector_store %arg4[%swap3A_460, %swap3A_461], %add3A_459 {strides = array<i32>} : memref<3200x128xf32, #tpu.memory_space<vmem>>, vector<128x128xf32>,
    %slice3A_463 = vector.extract_strided_slice %add3A_459 {offsets = [127, 0], sizes = [1, 128], strides = [1, 1]} : vector<128x128xf32> to vector<1x128xf32>
    %slice3A_464 = vector.extract_strided_slice %slice3A_441 {offsets = [127, 0], sizes = [1, 1], strides = [1, 1]} : vector<128x1xi32> to vector<1x1xi32>
    %slice3A_465 = vector.extract_strided_slice %get3A_3 {offsets = [0, 2304], sizes = [1, 128], strides = [1, 1]} : vector<1x3200xi32> to vector<1x128xi32>
    %slice3A_466 = vector.extract_strided_slice %transpose3A {offsets = [2304, 0], sizes = [128, 1], strides = [1, 1]} : vector<3200x1xi32> to vector<128x1xi32>
    %ge3A_467 = vector.broadcast %slice3A_465 : vector<1x128xi32> to vector<128x128xi32>
    %ge3A_468 = vector.broadcast %slice3A_466 : vector<128x1xi32> to vector<128x128xi32>
    %ge3A_469 = arith.cmpi sge, %ge3A_467, %ge3A_468 : vector<128x128xi32>
    %and3A_470 = arith.andi %le3A, %ge3A_469 : vector<128x128xi1>
    %convert_element_type3A_471 = arith.extui %and3A_470 : vector<128x128xi1> to vector<128x128xi32>
    %convert_element_type3A_472 = arith.sitofp %convert_element_type3A_471 : vector<128x128xi32> to vector<128x128xf32>
    %convert_element_type3A_473 = arith.truncf %convert_element_type3A_472 : vector<128x128xf32> to vector<128x128xbf16>
    %slice3A_474 = vector.extract_strided_slice %convert_element_type3A_14 {offsets = [2304, 0], sizes = [128, 128], strides = [1, 1]} : vector<3200x128xbf16> to vector<128x128xbf16>
    %dot_general3A_475 = arith.constant dense<0.000000e+00> : vector<128x128xf32>
    %dot_general3A_476 = tpu.matmul %convert_element_type3A_473, %slice3A_474, %dot_general3A_475 {dimension_numbers = #tpu.dot_dimension_numbers<[1], [0], [0], [1], [0, 0, 1, 1], [], []>, transpose_lhs_hint = false} : vector<128x128xbf16>, vector<128x128xbf16>, vector<128x128xf32> -> vector<128x128xf32>
    %eq3A_477 = vector.broadcast %slice3A_464 : vector<1x1xi32> to vector<128x1xi32>
    %eq3A_478 = arith.cmpi eq, %slice3A_466, %eq3A_477 : vector<128x1xi32>
    %convert_element_type3A_479 = arith.extui %eq3A_478 : vector<128x1xi1> to vector<128x1xi32>
    %convert_element_type3A_480 = arith.sitofp %convert_element_type3A_479 : vector<128x1xi32> to vector<128x1xf32>
    %mul3A_481 = vector.broadcast %convert_element_type3A_480 : vector<128x1xf32> to vector<128x128xf32>
    %mul3A_482 = vector.broadcast %slice3A_463 : vector<1x128xf32> to vector<128x128xf32>
    %mul3A_483 = arith.mulf %mul3A_481, %mul3A_482 : vector<128x128xf32>
    %add3A_484 = arith.addf %dot_general3A_476, %mul3A_483 : vector<128x128xf32>
    %swap3A_485 = arith.constant 2304 : index
    %swap3A_486 = arith.constant 0 : index
    %swap3A_487 = vector.load %arg4[%swap3A_485, %swap3A_486] : memref<3200x128xf32, #tpu.memory_space<vmem>>, vector<128x128xf32>
    tpu.vector_store %arg4[%swap3A_485, %swap3A_486], %add3A_484 {strides = array<i32>} : memref<3200x128xf32, #tpu.memory_space<vmem>>, vector<128x128xf32>,
    %slice3A_488 = vector.extract_strided_slice %add3A_484 {offsets = [127, 0], sizes = [1, 128], strides = [1, 1]} : vector<128x128xf32> to vector<1x128xf32>
    %slice3A_489 = vector.extract_strided_slice %slice3A_466 {offsets = [127, 0], sizes = [1, 1], strides = [1, 1]} : vector<128x1xi32> to vector<1x1xi32>
    %slice3A_490 = vector.extract_strided_slice %get3A_3 {offsets = [0, 2432], sizes = [1, 128], strides = [1, 1]} : vector<1x3200xi32> to vector<1x128xi32>
    %slice3A_491 = vector.extract_strided_slice %transpose3A {offsets = [2432, 0], sizes = [128, 1], strides = [1, 1]} : vector<3200x1xi32> to vector<128x1xi32>
    %ge3A_492 = vector.broadcast %slice3A_490 : vector<1x128xi32> to vector<128x128xi32>
    %ge3A_493 = vector.broadcast %slice3A_491 : vector<128x1xi32> to vector<128x128xi32>
    %ge3A_494 = arith.cmpi sge, %ge3A_492, %ge3A_493 : vector<128x128xi32>
    %and3A_495 = arith.andi %le3A, %ge3A_494 : vector<128x128xi1>
    %convert_element_type3A_496 = arith.extui %and3A_495 : vector<128x128xi1> to vector<128x128xi32>
    %convert_element_type3A_497 = arith.sitofp %convert_element_type3A_496 : vector<128x128xi32> to vector<128x128xf32>
    %convert_element_type3A_498 = arith.truncf %convert_element_type3A_497 : vector<128x128xf32> to vector<128x128xbf16>
    %slice3A_499 = vector.extract_strided_slice %convert_element_type3A_14 {offsets = [2432, 0], sizes = [128, 128], strides = [1, 1]} : vector<3200x128xbf16> to vector<128x128xbf16>
    %dot_general3A_500 = arith.constant dense<0.000000e+00> : vector<128x128xf32>
    %dot_general3A_501 = tpu.matmul %convert_element_type3A_498, %slice3A_499, %dot_general3A_500 {dimension_numbers = #tpu.dot_dimension_numbers<[1], [0], [0], [1], [0, 0, 1, 1], [], []>, transpose_lhs_hint = false} : vector<128x128xbf16>, vector<128x128xbf16>, vector<128x128xf32> -> vector<128x128xf32>
    %eq3A_502 = vector.broadcast %slice3A_489 : vector<1x1xi32> to vector<128x1xi32>
    %eq3A_503 = arith.cmpi eq, %slice3A_491, %eq3A_502 : vector<128x1xi32>
    %convert_element_type3A_504 = arith.extui %eq3A_503 : vector<128x1xi1> to vector<128x1xi32>
    %convert_element_type3A_505 = arith.sitofp %convert_element_type3A_504 : vector<128x1xi32> to vector<128x1xf32>
    %mul3A_506 = vector.broadcast %convert_element_type3A_505 : vector<128x1xf32> to vector<128x128xf32>
    %mul3A_507 = vector.broadcast %slice3A_488 : vector<1x128xf32> to vector<128x128xf32>
    %mul3A_508 = arith.mulf %mul3A_506, %mul3A_507 : vector<128x128xf32>
    %add3A_509 = arith.addf %dot_general3A_501, %mul3A_508 : vector<128x128xf32>
    %swap3A_510 = arith.constant 2432 : index
    %swap3A_511 = arith.constant 0 : index
    %swap3A_512 = vector.load %arg4[%swap3A_510, %swap3A_511] : memref<3200x128xf32, #tpu.memory_space<vmem>>, vector<128x128xf32>
    tpu.vector_store %arg4[%swap3A_510, %swap3A_511], %add3A_509 {strides = array<i32>} : memref<3200x128xf32, #tpu.memory_space<vmem>>, vector<128x128xf32>,
    %slice3A_513 = vector.extract_strided_slice %add3A_509 {offsets = [127, 0], sizes = [1, 128], strides = [1, 1]} : vector<128x128xf32> to vector<1x128xf32>
    %slice3A_514 = vector.extract_strided_slice %slice3A_491 {offsets = [127, 0], sizes = [1, 1], strides = [1, 1]} : vector<128x1xi32> to vector<1x1xi32>
    %slice3A_515 = vector.extract_strided_slice %get3A_3 {offsets = [0, 2560], sizes = [1, 128], strides = [1, 1]} : vector<1x3200xi32> to vector<1x128xi32>
    %slice3A_516 = vector.extract_strided_slice %transpose3A {offsets = [2560, 0], sizes = [128, 1], strides = [1, 1]} : vector<3200x1xi32> to vector<128x1xi32>
    %ge3A_517 = vector.broadcast %slice3A_515 : vector<1x128xi32> to vector<128x128xi32>
    %ge3A_518 = vector.broadcast %slice3A_516 : vector<128x1xi32> to vector<128x128xi32>
    %ge3A_519 = arith.cmpi sge, %ge3A_517, %ge3A_518 : vector<128x128xi32>
    %and3A_520 = arith.andi %le3A, %ge3A_519 : vector<128x128xi1>
    %convert_element_type3A_521 = arith.extui %and3A_520 : vector<128x128xi1> to vector<128x128xi32>
    %convert_element_type3A_522 = arith.sitofp %convert_element_type3A_521 : vector<128x128xi32> to vector<128x128xf32>
    %convert_element_type3A_523 = arith.truncf %convert_element_type3A_522 : vector<128x128xf32> to vector<128x128xbf16>
    %slice3A_524 = vector.extract_strided_slice %convert_element_type3A_14 {offsets = [2560, 0], sizes = [128, 128], strides = [1, 1]} : vector<3200x128xbf16> to vector<128x128xbf16>
    %dot_general3A_525 = arith.constant dense<0.000000e+00> : vector<128x128xf32>
    %dot_general3A_526 = tpu.matmul %convert_element_type3A_523, %slice3A_524, %dot_general3A_525 {dimension_numbers = #tpu.dot_dimension_numbers<[1], [0], [0], [1], [0, 0, 1, 1], [], []>, transpose_lhs_hint = false} : vector<128x128xbf16>, vector<128x128xbf16>, vector<128x128xf32> -> vector<128x128xf32>
    %eq3A_527 = vector.broadcast %slice3A_514 : vector<1x1xi32> to vector<128x1xi32>
    %eq3A_528 = arith.cmpi eq, %slice3A_516, %eq3A_527 : vector<128x1xi32>
    %convert_element_type3A_529 = arith.extui %eq3A_528 : vector<128x1xi1> to vector<128x1xi32>
    %convert_element_type3A_530 = arith.sitofp %convert_element_type3A_529 : vector<128x1xi32> to vector<128x1xf32>
    %mul3A_531 = vector.broadcast %convert_element_type3A_530 : vector<128x1xf32> to vector<128x128xf32>
    %mul3A_532 = vector.broadcast %slice3A_513 : vector<1x128xf32> to vector<128x128xf32>
    %mul3A_533 = arith.mulf %mul3A_531, %mul3A_532 : vector<128x128xf32>
    %add3A_534 = arith.addf %dot_general3A_526, %mul3A_533 : vector<128x128xf32>
    %swap3A_535 = arith.constant 2560 : index
    %swap3A_536 = arith.constant 0 : index
    %swap3A_537 = vector.load %arg4[%swap3A_535, %swap3A_536] : memref<3200x128xf32, #tpu.memory_space<vmem>>, vector<128x128xf32>
    tpu.vector_store %arg4[%swap3A_535, %swap3A_536], %add3A_534 {strides = array<i32>} : memref<3200x128xf32, #tpu.memory_space<vmem>>, vector<128x128xf32>,
    %slice3A_538 = vector.extract_strided_slice %add3A_534 {offsets = [127, 0], sizes = [1, 128], strides = [1, 1]} : vector<128x128xf32> to vector<1x128xf32>
    %slice3A_539 = vector.extract_strided_slice %slice3A_516 {offsets = [127, 0], sizes = [1, 1], strides = [1, 1]} : vector<128x1xi32> to vector<1x1xi32>
    %slice3A_540 = vector.extract_strided_slice %get3A_3 {offsets = [0, 2688], sizes = [1, 128], strides = [1, 1]} : vector<1x3200xi32> to vector<1x128xi32>
    %slice3A_541 = vector.extract_strided_slice %transpose3A {offsets = [2688, 0], sizes = [128, 1], strides = [1, 1]} : vector<3200x1xi32> to vector<128x1xi32>
    %ge3A_542 = vector.broadcast %slice3A_540 : vector<1x128xi32> to vector<128x128xi32>
    %ge3A_543 = vector.broadcast %slice3A_541 : vector<128x1xi32> to vector<128x128xi32>
    %ge3A_544 = arith.cmpi sge, %ge3A_542, %ge3A_543 : vector<128x128xi32>
    %and3A_545 = arith.andi %le3A, %ge3A_544 : vector<128x128xi1>
    %convert_element_type3A_546 = arith.extui %and3A_545 : vector<128x128xi1> to vector<128x128xi32>
    %convert_element_type3A_547 = arith.sitofp %convert_element_type3A_546 : vector<128x128xi32> to vector<128x128xf32>
    %convert_element_type3A_548 = arith.truncf %convert_element_type3A_547 : vector<128x128xf32> to vector<128x128xbf16>
    %slice3A_549 = vector.extract_strided_slice %convert_element_type3A_14 {offsets = [2688, 0], sizes = [128, 128], strides = [1, 1]} : vector<3200x128xbf16> to vector<128x128xbf16>
    %dot_general3A_550 = arith.constant dense<0.000000e+00> : vector<128x128xf32>
    %dot_general3A_551 = tpu.matmul %convert_element_type3A_548, %slice3A_549, %dot_general3A_550 {dimension_numbers = #tpu.dot_dimension_numbers<[1], [0], [0], [1], [0, 0, 1, 1], [], []>, transpose_lhs_hint = false} : vector<128x128xbf16>, vector<128x128xbf16>, vector<128x128xf32> -> vector<128x128xf32>
    %eq3A_552 = vector.broadcast %slice3A_539 : vector<1x1xi32> to vector<128x1xi32>
    %eq3A_553 = arith.cmpi eq, %slice3A_541, %eq3A_552 : vector<128x1xi32>
    %convert_element_type3A_554 = arith.extui %eq3A_553 : vector<128x1xi1> to vector<128x1xi32>
    %convert_element_type3A_555 = arith.sitofp %convert_element_type3A_554 : vector<128x1xi32> to vector<128x1xf32>
    %mul3A_556 = vector.broadcast %convert_element_type3A_555 : vector<128x1xf32> to vector<128x128xf32>
    %mul3A_557 = vector.broadcast %slice3A_538 : vector<1x128xf32> to vector<128x128xf32>
    %mul3A_558 = arith.mulf %mul3A_556, %mul3A_557 : vector<128x128xf32>
    %add3A_559 = arith.addf %dot_general3A_551, %mul3A_558 : vector<128x128xf32>
    %swap3A_560 = arith.constant 2688 : index
    %swap3A_561 = arith.constant 0 : index
    %swap3A_562 = vector.load %arg4[%swap3A_560, %swap3A_561] : memref<3200x128xf32, #tpu.memory_space<vmem>>, vector<128x128xf32>
    tpu.vector_store %arg4[%swap3A_560, %swap3A_561], %add3A_559 {strides = array<i32>} : memref<3200x128xf32, #tpu.memory_space<vmem>>, vector<128x128xf32>,
    %slice3A_563 = vector.extract_strided_slice %add3A_559 {offsets = [127, 0], sizes = [1, 128], strides = [1, 1]} : vector<128x128xf32> to vector<1x128xf32>
    %slice3A_564 = vector.extract_strided_slice %slice3A_541 {offsets = [127, 0], sizes = [1, 1], strides = [1, 1]} : vector<128x1xi32> to vector<1x1xi32>
    %slice3A_565 = vector.extract_strided_slice %get3A_3 {offsets = [0, 2816], sizes = [1, 128], strides = [1, 1]} : vector<1x3200xi32> to vector<1x128xi32>
    %slice3A_566 = vector.extract_strided_slice %transpose3A {offsets = [2816, 0], sizes = [128, 1], strides = [1, 1]} : vector<3200x1xi32> to vector<128x1xi32>
    %ge3A_567 = vector.broadcast %slice3A_565 : vector<1x128xi32> to vector<128x128xi32>
    %ge3A_568 = vector.broadcast %slice3A_566 : vector<128x1xi32> to vector<128x128xi32>
    %ge3A_569 = arith.cmpi sge, %ge3A_567, %ge3A_568 : vector<128x128xi32>
    %and3A_570 = arith.andi %le3A, %ge3A_569 : vector<128x128xi1>
    %convert_element_type3A_571 = arith.extui %and3A_570 : vector<128x128xi1> to vector<128x128xi32>
    %convert_element_type3A_572 = arith.sitofp %convert_element_type3A_571 : vector<128x128xi32> to vector<128x128xf32>
    %convert_element_type3A_573 = arith.truncf %convert_element_type3A_572 : vector<128x128xf32> to vector<128x128xbf16>
    %slice3A_574 = vector.extract_strided_slice %convert_element_type3A_14 {offsets = [2816, 0], sizes = [128, 128], strides = [1, 1]} : vector<3200x128xbf16> to vector<128x128xbf16>
    %dot_general3A_575 = arith.constant dense<0.000000e+00> : vector<128x128xf32>
    %dot_general3A_576 = tpu.matmul %convert_element_type3A_573, %slice3A_574, %dot_general3A_575 {dimension_numbers = #tpu.dot_dimension_numbers<[1], [0], [0], [1], [0, 0, 1, 1], [], []>, transpose_lhs_hint = false} : vector<128x128xbf16>, vector<128x128xbf16>, vector<128x128xf32> -> vector<128x128xf32>
    %eq3A_577 = vector.broadcast %slice3A_564 : vector<1x1xi32> to vector<128x1xi32>
    %eq3A_578 = arith.cmpi eq, %slice3A_566, %eq3A_577 : vector<128x1xi32>
    %convert_element_type3A_579 = arith.extui %eq3A_578 : vector<128x1xi1> to vector<128x1xi32>
    %convert_element_type3A_580 = arith.sitofp %convert_element_type3A_579 : vector<128x1xi32> to vector<128x1xf32>
    %mul3A_581 = vector.broadcast %convert_element_type3A_580 : vector<128x1xf32> to vector<128x128xf32>
    %mul3A_582 = vector.broadcast %slice3A_563 : vector<1x128xf32> to vector<128x128xf32>
    %mul3A_583 = arith.mulf %mul3A_581, %mul3A_582 : vector<128x128xf32>
    %add3A_584 = arith.addf %dot_general3A_576, %mul3A_583 : vector<128x128xf32>
    %swap3A_585 = arith.constant 2816 : index
    %swap3A_586 = arith.constant 0 : index
    %swap3A_587 = vector.load %arg4[%swap3A_585, %swap3A_586] : memref<3200x128xf32, #tpu.memory_space<vmem>>, vector<128x128xf32>
    tpu.vector_store %arg4[%swap3A_585, %swap3A_586], %add3A_584 {strides = array<i32>} : memref<3200x128xf32, #tpu.memory_space<vmem>>, vector<128x128xf32>,
    %slice3A_588 = vector.extract_strided_slice %add3A_584 {offsets = [127, 0], sizes = [1, 128], strides = [1, 1]} : vector<128x128xf32> to vector<1x128xf32>
    %slice3A_589 = vector.extract_strided_slice %slice3A_566 {offsets = [127, 0], sizes = [1, 1], strides = [1, 1]} : vector<128x1xi32> to vector<1x1xi32>
    %slice3A_590 = vector.extract_strided_slice %get3A_3 {offsets = [0, 2944], sizes = [1, 128], strides = [1, 1]} : vector<1x3200xi32> to vector<1x128xi32>
    %slice3A_591 = vector.extract_strided_slice %transpose3A {offsets = [2944, 0], sizes = [128, 1], strides = [1, 1]} : vector<3200x1xi32> to vector<128x1xi32>
    %ge3A_592 = vector.broadcast %slice3A_590 : vector<1x128xi32> to vector<128x128xi32>
    %ge3A_593 = vector.broadcast %slice3A_591 : vector<128x1xi32> to vector<128x128xi32>
    %ge3A_594 = arith.cmpi sge, %ge3A_592, %ge3A_593 : vector<128x128xi32>
    %and3A_595 = arith.andi %le3A, %ge3A_594 : vector<128x128xi1>
    %convert_element_type3A_596 = arith.extui %and3A_595 : vector<128x128xi1> to vector<128x128xi32>
    %convert_element_type3A_597 = arith.sitofp %convert_element_type3A_596 : vector<128x128xi32> to vector<128x128xf32>
    %convert_element_type3A_598 = arith.truncf %convert_element_type3A_597 : vector<128x128xf32> to vector<128x128xbf16>
    %slice3A_599 = vector.extract_strided_slice %convert_element_type3A_14 {offsets = [2944, 0], sizes = [128, 128], strides = [1, 1]} : vector<3200x128xbf16> to vector<128x128xbf16>
    %dot_general3A_600 = arith.constant dense<0.000000e+00> : vector<128x128xf32>
    %dot_general3A_601 = tpu.matmul %convert_element_type3A_598, %slice3A_599, %dot_general3A_600 {dimension_numbers = #tpu.dot_dimension_numbers<[1], [0], [0], [1], [0, 0, 1, 1], [], []>, transpose_lhs_hint = false} : vector<128x128xbf16>, vector<128x128xbf16>, vector<128x128xf32> -> vector<128x128xf32>
    %eq3A_602 = vector.broadcast %slice3A_589 : vector<1x1xi32> to vector<128x1xi32>
    %eq3A_603 = arith.cmpi eq, %slice3A_591, %eq3A_602 : vector<128x1xi32>
    %convert_element_type3A_604 = arith.extui %eq3A_603 : vector<128x1xi1> to vector<128x1xi32>
    %convert_element_type3A_605 = arith.sitofp %convert_element_type3A_604 : vector<128x1xi32> to vector<128x1xf32>
    %mul3A_606 = vector.broadcast %convert_element_type3A_605 : vector<128x1xf32> to vector<128x128xf32>
    %mul3A_607 = vector.broadcast %slice3A_588 : vector<1x128xf32> to vector<128x128xf32>
    %mul3A_608 = arith.mulf %mul3A_606, %mul3A_607 : vector<128x128xf32>
    %add3A_609 = arith.addf %dot_general3A_601, %mul3A_608 : vector<128x128xf32>
    %swap3A_610 = arith.constant 2944 : index
    %swap3A_611 = arith.constant 0 : index
    %swap3A_612 = vector.load %arg4[%swap3A_610, %swap3A_611] : memref<3200x128xf32, #tpu.memory_space<vmem>>, vector<128x128xf32>
    tpu.vector_store %arg4[%swap3A_610, %swap3A_611], %add3A_609 {strides = array<i32>} : memref<3200x128xf32, #tpu.memory_space<vmem>>, vector<128x128xf32>,
    %slice3A_613 = vector.extract_strided_slice %add3A_609 {offsets = [127, 0], sizes = [1, 128], strides = [1, 1]} : vector<128x128xf32> to vector<1x128xf32>
    %slice3A_614 = vector.extract_strided_slice %slice3A_591 {offsets = [127, 0], sizes = [1, 1], strides = [1, 1]} : vector<128x1xi32> to vector<1x1xi32>
    %slice3A_615 = vector.extract_strided_slice %get3A_3 {offsets = [0, 3072], sizes = [1, 128], strides = [1, 1]} : vector<1x3200xi32> to vector<1x128xi32>
    %slice3A_616 = vector.extract_strided_slice %transpose3A {offsets = [3072, 0], sizes = [128, 1], strides = [1, 1]} : vector<3200x1xi32> to vector<128x1xi32>
    %ge3A_617 = vector.broadcast %slice3A_615 : vector<1x128xi32> to vector<128x128xi32>
    %ge3A_618 = vector.broadcast %slice3A_616 : vector<128x1xi32> to vector<128x128xi32>
    %ge3A_619 = arith.cmpi sge, %ge3A_617, %ge3A_618 : vector<128x128xi32>
    %and3A_620 = arith.andi %le3A, %ge3A_619 : vector<128x128xi1>
    %convert_element_type3A_621 = arith.extui %and3A_620 : vector<128x128xi1> to vector<128x128xi32>
    %convert_element_type3A_622 = arith.sitofp %convert_element_type3A_621 : vector<128x128xi32> to vector<128x128xf32>
    %convert_element_type3A_623 = arith.truncf %convert_element_type3A_622 : vector<128x128xf32> to vector<128x128xbf16>
    %slice3A_624 = vector.extract_strided_slice %convert_element_type3A_14 {offsets = [3072, 0], sizes = [128, 128], strides = [1, 1]} : vector<3200x128xbf16> to vector<128x128xbf16>
    %dot_general3A_625 = arith.constant dense<0.000000e+00> : vector<128x128xf32>
    %dot_general3A_626 = tpu.matmul %convert_element_type3A_623, %slice3A_624, %dot_general3A_625 {dimension_numbers = #tpu.dot_dimension_numbers<[1], [0], [0], [1], [0, 0, 1, 1], [], []>, transpose_lhs_hint = false} : vector<128x128xbf16>, vector<128x128xbf16>, vector<128x128xf32> -> vector<128x128xf32>
    %eq3A_627 = vector.broadcast %slice3A_614 : vector<1x1xi32> to vector<128x1xi32>
    %eq3A_628 = arith.cmpi eq, %slice3A_616, %eq3A_627 : vector<128x1xi32>
    %convert_element_type3A_629 = arith.extui %eq3A_628 : vector<128x1xi1> to vector<128x1xi32>
    %convert_element_type3A_630 = arith.sitofp %convert_element_type3A_629 : vector<128x1xi32> to vector<128x1xf32>
    %mul3A_631 = vector.broadcast %convert_element_type3A_630 : vector<128x1xf32> to vector<128x128xf32>
    %mul3A_632 = vector.broadcast %slice3A_613 : vector<1x128xf32> to vector<128x128xf32>
    %mul3A_633 = arith.mulf %mul3A_631, %mul3A_632 : vector<128x128xf32>
    %add3A_634 = arith.addf %dot_general3A_626, %mul3A_633 : vector<128x128xf32>
    %swap3A_635 = arith.constant 3072 : index
    %swap3A_636 = arith.constant 0 : index
    %swap3A_637 = vector.load %arg4[%swap3A_635, %swap3A_636] : memref<3200x128xf32, #tpu.memory_space<vmem>>, vector<128x128xf32>
    tpu.vector_store %arg4[%swap3A_635, %swap3A_636], %add3A_634 {strides = array<i32>} : memref<3200x128xf32, #tpu.memory_space<vmem>>, vector<128x128xf32>,
    %slice3A_638 = vector.extract_strided_slice %add3A_634 {offsets = [127, 0], sizes = [1, 128], strides = [1, 1]} : vector<128x128xf32> to vector<1x128xf32>
    %slice3A_639 = vector.extract_strided_slice %slice3A_616 {offsets = [127, 0], sizes = [1, 1], strides = [1, 1]} : vector<128x1xi32> to vector<1x1xi32>
    %swap3A_640 = arith.constant 0 : index
    %swap3A_641 = arith.constant 0 : index
    %swap3A_642 = vector.load %arg5[%swap3A_640, %swap3A_641] : memref<1x128xf32, #tpu.memory_space<vmem>>, vector<1x128xf32>
    tpu.vector_store %arg5[%swap3A_640, %swap3A_641], %slice3A_638 {strides = array<i32>} : memref<1x128xf32, #tpu.memory_space<vmem>>, vector<1x128xf32>,
    %swap3A_643 = arith.constant 0 : index
    %swap3A_644 = arith.constant 0 : index
    %swap3A_645 = vector.load %arg6[%swap3A_643, %swap3A_644] : memref<1x1xi32, #tpu.memory_space<vmem>>, vector<1x1xi32>
    tpu.vector_store %arg6[%swap3A_643, %swap3A_644], %slice3A_639 {strides = array<i32>} : memref<1x1xi32, #tpu.memory_space<vmem>>, vector<1x1xi32>,
    return
  }
  func.func @transform_0(%arg0: i32) -> (i32, i32) {
    %c0_i32 = arith.constant 0 : i32
    %c0_i32_0 = arith.constant 0 : i32
    return %c0_i32, %arg0 : i32, i32
  }
  func.func @transform_1(%arg0: i32) -> (i32, i32) {
    %c0_i32 = arith.constant 0 : i32
    %c0_i32_0 = arith.constant 0 : i32
    return %arg0, %c0_i32 : i32, i32
  }
  func.func @transform_2(%arg0: i32) -> (i32, i32) {
    %c0_i32 = arith.constant 0 : i32
    %c0_i32_0 = arith.constant 0 : i32
    %c0_i32_1 = arith.constant 0 : i32
    return %c0_i32, %c0_i32_0 : i32, i32
  }
  func.func @transform_3(%arg0: i32) -> (i32, i32) {
    %c0_i32 = arith.constant 0 : i32
    %c0_i32_0 = arith.constant 0 : i32
    return %arg0, %c0_i32 : i32, i32
  }
}

</mosaic_0001>

<sc_bundles>
// kernel: kernel.5.cloned.1.call-start
scs
__scs_entry_jumppad:
0x0: {  	(pc) =	sbr.rel $0x88, $3  }
0x1: {  	(tag) =	ssettag $0x0;
	lr =	simm.s32 $0x1  }
0x2: {  	[smem:$0x3F98] =	sst lr;
	_ =	strace $0xD0000000  }
0x3: {  	_ = 	snop  }
0x4: {  	_ = 	snop  }
0x5: {  	_ = 	snop  }
0x6: {  	_ = 	snop  }
0x7: {  	_ = 	snop  }
__scs_overlays_trampoline_lowered:
0x8: {  	[smem:$0x3FA7] =	sst s0  }
0x9: {  	[smem:$0x3FA8] =	sst s1  }
0xa: {  	[smem:$0x3FA9] =	sst s2  }
0xb: {  	[smem:$0x3FAA] =	sst s3  }
0xc: {  	[smem:$0x3FAB] =	sst s4  }
0xd: {  	[smem:$0x3FAC] =	sst s5  }
0xe: {  	[smem:$0x3FAD] =	sst s6  }
0xf: {  	[smem:$0x3FAE] =	sst s7  }
0x10: {  	[smem:$0x3FAF] =	sst s8  }
0x11: {  	[smem:$0x3FB0] =	sst s9;
	s0 =	simm.s32 @!p0 $0x0  }
0x12: {  	s1 =	sld [smem:$0x3F96];
	s0 =	simm.s32 @p0 $0x1  }
0x13: {  	[smem:$0x3FB1] =	sst s0;
	s0 =	simm.s32 @!p1 $0x0  }
0x14: {  	s2 =	sld [smem:$0x3F95];
	s0 =	simm.s32 @p1 $0x1  }
0x15: {  	[smem:$0x3FB2] =	sst s0;
	s0 =	simm.s32 @!p2 $0x0  }
0x16: {  	s3 =	sld [smem:$0x3FDB];
	s0 =	simm.s32 @p2 $0x1  }
0x17: {  	s4 =	simm.s32 $0x1BF5;
	[smem:$0x3FB4] =	sst s0  }
0x18: {  	s0 =	sld [smem:$0x3F97];
	_ =	swait.ge [sflag:s4], $0x0  }
0x19: {  	s7 =	sld [smem:$0x3F98]  }
0x1a: {  	s8 =	sadd.s32 $0xFFFFE003, lr  }
0x1b: {  	s9 =	sadd.s32 $0xFFFFFEF7, lr;
	s5 =	simm.s32 $0xFFFFFFFF;
	p2 =	slt.u32 s8, $0xFFFFF086  }
0x1c: {  	p1 =	slt.u32 s9, $0xF7A;
	s5 =	simm.s32 @!p2 $0x0  }
0x1d: {  	s5 =	simm.s32 @p1 $0x1;
	p0 =	seq.s32 s7, s2  }
0x1e: {  	s7 =	smul.u32 @!p0 $0xF7A, s2;
	p2 =	seq.s32 @!p0 s5, $0x0  }
0x1f: {  	s9 =	smul.u32 $0xF7A, s1;
	s8 =	simm.s32 @!p0 $0x1BF5;
	p2 =	por !p2, p0  }
0x20: {  	[sflag:s8] =	ssyncset.s32 @!p0 $0xFFFFF086;
	s6 =	sadd.s32 @!p0 s3, s7;
	s7 =	simm.s32 @!p0 $0x108  }
0x21: {  	s3 =	sadd.s32 s3, s9;
	s6 =	sadd.s32 @!p0 $0x88, s6;
	s7 =	simm.s32 @p2 $0x1082  }
0x22: {  	[simem:s7], [sflag:s8] =	dma.local @!p0 [hbm:s6], $0xF7A  }
0x23: {  	s9 =	sor.u32 $0xD0000000, s2;
	s6 =	simm.s32 $0x108;
	_ =	swait.ge @!p0 [sflag:s8], $0x0  }
0x24: {  	s3 =	sadd.s32 $0x88, s3;
	s6 =	simm.s32 @!p1 $0x1082;
	[sflag:s4] =	ssyncset.s32 $0xFFFFF086  }
0x25: {  	[simem:s6], [sflag:s4] =	dma.local [hbm:s3], $0xF7A  }
0x26: {  	[smem:$0x3F98] =	sst s1;
	(tag) =	ssettag s2;
	_ =	strace s9  }
0x27: {  	s1 =	sld [smem:$0x3FA8]  }
0x28: {  	s2 =	sld [smem:$0x3FA9]  }
0x29: {  	s4 =	sld [smem:$0x3FAB]  }
0x2a: {  	p0 =	seq.s32 s5, $0x0;
	s5 =	sld [smem:$0x3FAC]  }
0x2b: {  	s6 =	sld [smem:$0x3FAD]  }
0x2c: {  	s7 =	sld [smem:$0x3FAE]  }
0x2d: {  	s3 =	simm.s32 $0x108;
	s8 =	sld [smem:$0x3FAF]  }
0x2e: {  	s3 =	simm.s32 @!p0 $0x1082;
	s9 =	sld [smem:$0x3FB0]  }
0x2f: {  	lr =	sadd.s32 s0, s3;
	s0 =	sld [smem:$0x3FA7]  }
0x30: {  	s3 =	sld [smem:$0x3FAA]  }
0x31: {  	[smem:$0x3FB3] =	sst s10  }
0x32: {  	s10 =	sld [smem:$0x3FB1];
	_ =	sdelay $0x3  }
0x33: {  	p0 =	seq.s32 s10, $0x1;
	s10 =	sld [smem:$0x3FB3];
	_ =	sdelay $0x3  }
0x34: {  	[smem:$0x3FB3] =	sst s10  }
0x35: {  	s10 =	sld [smem:$0x3FB2];
	_ =	sdelay $0x3  }
0x36: {  	p1 =	seq.s32 s10, $0x1;
	s10 =	sld [smem:$0x3FB3];
	_ =	sdelay $0x3  }
0x37: {  	[smem:$0x3FB3] =	sst s10  }
0x38: {  	s10 =	sld [smem:$0x3FB4]  }
0x39: {  	_ = 	snop;
	(pc) =	sbr.ind lr, $3  }
0x3a: {  	_ = 	snop  }
0x3b: {  	_ = 	snop  }
0x3c: {  	p2 =	seq.s32 s10, $0x1;
	s10 =	sld [smem:$0x3FB3]  }
0x3d: {  	_ =	shalt  }
0x3e: {  	_ =	shalt  }
0x3f: {  	_ =	shalt  }
0x40: {  	_ =	shalt  }
0x41: {  	_ =	shalt  }
0x42: {  	_ =	shalt  }
0x43: {  	_ =	shalt  }
0x44: {  	_ =	shalt  }
0x45: {  	_ =	shalt  }
0x46: {  	_ =	shalt  }
0x47: {  	_ =	shalt  }
0x48: {  	_ =	shalt  }
0x49: {  	_ =	shalt  }
0x4a: {  	_ =	shalt  }
0x4b: {  	_ =	shalt  }
0x4c: {  	_ =	shalt  }
0x4d: {  	_ =	shalt  }
0x4e: {  	_ =	shalt  }
0x4f: {  	_ =	shalt  }
0x50: {  	_ =	shalt  }
0x51: {  	_ =	shalt  }
0x52: {  	_ =	shalt  }
0x53: {  	_ =	shalt  }
0x54: {  	_ =	shalt  }
0x55: {  	_ =	shalt  }
0x56: {  	_ =	shalt  }
0x57: {  	_ =	shalt  }
0x58: {  	_ =	shalt  }
0x59: {  	_ =	shalt  }
0x5a: {  	_ =	shalt  }
0x5b: {  	_ =	shalt  }
0x5c: {  	_ =	shalt  }
0x5d: {  	_ =	shalt  }
0x5e: {  	_ =	shalt  }
0x5f: {  	_ =	shalt  }
0x60: {  	_ =	shalt  }
0x61: {  	_ =	shalt  }
0x62: {  	_ =	shalt  }
0x63: {  	_ =	shalt  }
0x64: {  	_ =	shalt  }
0x65: {  	_ =	shalt  }
0x66: {  	_ =	shalt  }
0x67: {  	_ =	shalt  }
0x68: {  	_ =	shalt  }
0x69: {  	_ =	shalt  }
0x6a: {  	_ =	shalt  }
0x6b: {  	_ =	shalt  }
0x6c: {  	_ =	shalt  }
0x6d: {  	_ =	shalt  }
0x6e: {  	_ =	shalt  }
0x6f: {  	_ =	shalt  }
0x70: {  	_ =	shalt  }
0x71: {  	_ =	shalt  }
0x72: {  	_ =	shalt  }
0x73: {  	_ =	shalt  }
0x74: {  	_ =	shalt  }
0x75: {  	_ =	shalt  }
0x76: {  	_ =	shalt  }
0x77: {  	_ =	shalt  }
0x78: {  	_ =	shalt  }
0x79: {  	_ =	shalt  }
0x7a: {  	_ =	shalt  }
0x7b: {  	_ =	shalt  }
0x7c: {  	_ =	shalt  }
0x7d: {  	_ =	shalt  }
0x7e: {  	_ =	shalt  }
0x7f: {  	_ =	shalt  }
0x80: {  	_ =	shalt  }
0x81: {  	_ =	shalt  }
0x82: {  	_ =	shalt  }
0x83: {  	_ =	shalt  }
0x84: {  	_ =	shalt  }
0x85: {  	_ =	shalt  }
0x86: {  	_ =	shalt  }
0x87: {  	_ =	shalt  }
.Lfunc_end0:
.L_simem_size_0:
called_computation_lowered:
.L_overlay_start_0:
0x88: {  	s2 =	sld [smem:$0x3FD9]  }
0x89: {  	s3 =	sld [smem:$0x3FFE];
	_ =	sdelay $0x1  }
0x8a: {  	s1 =	srdreg.scid  }
0x8b: {  	s0 =	sand.u32 $0x1, s1  }
0x8c: {  	s17 =	sshll.u32 s0, $0xA;
	s2 =	sadd.s32 s3, s2  }
0x8d: {  	s2 =	sadd.s32 s2, s17  }
0x8e: {  	[smem:$0x3FBF] =	sst s2  }
0x8f: {  	_ = 	snop  }
0x90: {  	s2 =	sld [smem:$0x3FC1]  }
0x91: {  	s18 =	sld [smem:$0x3FD0];
	(tm) =	ssettm $0x1  }
0x92: {  	s4 =	sld [smem:$0x3FFB];
	_ =	sdelay $0x3  }
0x93: {  	_ =	strace s4  }
0x94: {  	s4 =	sld [smem:$0x3FFC];
	_ =	sdelay $0x3  }
0x95: {  	_ =	strace s4  }
0x96: {  	s4 =	sld [smem:$0x3FFD];
	_ =	sdelay $0x3  }
0x97: {  	_ =	strace s4  }
0x98: {  	_ =	strace $0x8FFFFFFF  }
0x99: {  	s19 =	sld [smem:$0x3FDB];
	_ =	sdelay $0x1  }
0x9a: {  	s5 =	simm.s32 $_scs_section_size  }
0x9b: {  	s6 =	simm.s32 $_size__tile_overlayer_lowered;
	s7 =	simm.s32 $_tile_overlayer_lowered  }
0x9c: {  	s22 =	simm.s32 $0x1BFF;
	s21 =	sshll.u32 s7, $0x1;
	s4 =	sadd.s32 s5, s19  }
0x9d: {  	s8 =	simm.s32 $0x0;
	s20 =	sshll.u32 s6, $0x1;
	s6 =	sadd.s32 s21, s4  }
0x9e: {  	[timem:s8], [sflag:s22] =	dma.local [hbm:s6], s20  }
0x9f: {  	_ =	swait.ge [sflag:s22], s20  }
0xa0: {  	s5 =	ssub.s32 $0x0, s20;
	[sflag:s22] =	ssyncset.done $0x0  }
0xa1: {  	[sflag:s22] =	ssyncadd.s32 s5;
	_ =	sdelay $0x1  }
0xa2: {  	s23 =	simm.s32 $0x1B8B  }
0xa3: {  	_ =	swait.ge [sflag:s23], $0x1  }
0xa4: {  	[sflag:s23] =	ssyncset.done $0x0  }
0xa5: {  	s25 =	simm.s32 $0x1B8E;
	s24 =	sld [smem:$0x3FFE];
	[sflag:s23] =	ssyncadd.s32 $0xFFFFFFFF  }
0xa6: {  	s26 =	simm.s32 $execute0_lowered;
	[smem:$0x3FD2] =	sst s25  }
0xa7: {  	s6 =	sshll.u32 s26, $0x1;
	_ =	strace $0x80000046;
	[dreg:$0x1] =	wrdreg $0xFFFFFFFF  }
0xa8: {  	s28 =	simm.s32 $_size_execute0_lowered;
	s4 =	sadd.s32 s4, s6;
	[dreg:$0x0] =	wrdreg $0x0  }
0xa9: {  	s6 =	sshll.u32 s28, $0x1;
	[dreg:$0x2] =	wrdreg s4  }
0xaa: {  	[dreg:$0x3] =	wrdreg s6  }
0xab: {  	[dreg:$0x4] =	wrdreg $0xC0  }
0xac: {  	_ =	task [dreg:s8], $0x5FFFF  }
0xad: {  	[dreg:$0x1] =	wrdreg $0xFFFFFFFF  }
0xae: {  	[dreg:$0x0] =	wrdreg $0x60  }
0xaf: {  	[dreg:$0x2] =	wrdreg s18  }
0xb0: {  	[dreg:$0x3] =	wrdreg s2  }
0xb1: {  	[dreg:$0x4] =	wrdreg s24  }
0xb2: {  	[dreg:$0x5] =	wrdreg $0x9  }
0xb3: {  	_ =	task.clear_ibuf [dreg:s8], $0x6FFFF;
	_ =	strace $0x90000046  }
0xb4: {  	s29 =	simm.s32 $0x9;
	_ =	strace $0x80000048  }
0xb5: {  	_ =	swait.ge [sflag:s29], $0x1  }
0xb6: {  	[sflag:s29] =	ssyncadd.s32 $0xFFFFFFFF  }
0xb7: {  	_ =	strace $0x90000048  }
0xb8: {  	_ =	sfence  }
0xb9: {  	s30 =	sld [smem:$0x0];
	_ =	sdelay $0x2  }
0xba: {  	s31 =	sshll.u32 s1, $0xD;
	s1 =	sshrl.u32 s1, $0x2  }
0xbb: {  	s3 =	sand.u32 $0x4000, s31;
	s1 =	sadd.s32 s1, s30  }
0xbc: {  	s0 =	sor.u32 s3, s0;
	s1 =	sshll.u32 s1, $0x11  }
0xbd: {  	s0 =	sor.u32 s1, s0  }
0xbe: {  	s0 =	sadd.s32 $0x8F2B, s0  }
0xbf: {  	[sflag:s0] =	ssyncadd.remote.s32 $0x1  }
0xc0: {  	_ =	sfence.sel $0xFFFF  }
0xc1: {  	[dreg:$0x0] =	wrdreg $0xFFFFFFFF;
	(pc) =	sbr.abs _section_cstart, $3  }
0xc2: {  	[dreg:$0x1] =	wrdreg $0xFFFFFFFF  }
0xc3: {  	_ =	task.clear_ibuf [dreg:s8], $0x2FFFF;
	_ =	strace $0x9FFFFFFF  }
0xc4: {  	(tm) =	ssettm $0x7FFFFFFF  }
0xc5: {  	_ =	shalt  }
tec
execute0_lowered:
.L_overlay_start_1:
0x0: {  	(tag) =	ssettag $0x1  }
0x1: {  	s1 =	rddreg [dreg:$0x0]  }
0x2: {  	s14 =	rddreg [dreg:$0x1]  }
0x3: {  	s0 =	stileid.u32;
	s2 =	srdreg.scid  }
0x4: {  	s5 =	rddreg [dreg:$0x2];
	s3 =	simm.s32 $0x0;
	s19 =	simm.s32 $0x100  }
0x5: {  	s20 =	simm.s32 $0x8200;
	s21 =	simm.s32 $0x1;
	s22 =	simm.s32 $0x2  }
0x6: {  	s23 =	simm.s32 $0x4;
	s24 =	simm.s32 $0xC200;
	s25 =	simm.s32 $0x0  }
0x7: {  	s11 =	sand.u32 $0x1, s2;
	s4 =	sshll.u32 s0, $0x1;
	[smem:$0x7FF] =	sst s3  }
0x8: {  	s9 =	sshll.u32 s0, $0x5;
	s7 =	sshll.u32 s0, $0xC;
	s4 =	sor.u32 s11, s4  }
0x9: {  	_ =	strace $0x80000047;
	s6 =	sand.u32 $0x180, s9;
	s10 =	ssub.s32 $0x2, s11  }
0xa: {  	s13 =	sadd.s32 s7, s5;
	s15 =	sshll.u32 s11, $0x4;
	s16 =	sor.u32 $0xC00, s9  }
0xb: {  	s18 =	sor.u32 $0xA00, s9;
	s30 =	sshll.u32 s11, $0xB;
	s12 =	sshll.u32 s4, $0x4  }
0xc: {  	s26 =	sshrl.u32 s10, $0x1;
	s15 =	sor.u32 s15, s9;
	s16 =	sand.u32 $0xD80, s16  }
0xd: {  	s29 =	sand.u32 $0xB80, s18;
	s13 =	sadd.s32 s30, s13;
	s18 =	simm.s32 $0x4200  }
0xe: {  	s8 =	sand.u32 $0x70, s12;
	s10 =	ssub.s32 s10, s26;
	s5 =	sadd.s32 s14, s12  }
0xf: {  	s16 =	sadd.s32 s16, s14;
	s17 =	sand.u32 $0x70, s15;
	s12 =	sor.u32 $0x600, s12  }
0x10: {  	s13 =	sadd.s32 $0xE00, s13;
	s6 =	sor.u32 s6, s8;
	s8 =	sadd.s32 s14, s8  }
.Ltmp0:
0x11: {  	s9 =	smax.u32 s10, $0x1;
	s10 =	sadd.s32 s17, s16;
	(pc) =	sbr.rel .LBB2_1-.Ltmp0, $4  }
0x12: {  	s16 =	sadd.s32 s29, s14;
	s31 =	sand.u32 $0x780, s12;
	s12 =	sor.u32 $0x800, s15  }
0x13: {  	s15 =	simm.s32 $0x5;
	s28 =	sadd.s32 s6, s14;
	s11 =	sadd.s32 s17, s16  }
0x14: {  	s14 =	sadd.s32 s31, s14;
	s16 =	simm.s32 $0x80;
	s6 =	sadd.s32 $0x200, s28  }
0x15: {  	s7 =	sadd.s32 $0x400, s28;
	s14 =	sadd.s32 s17, s14;
	s17 =	simm.s32 $0x200  }
.LBB2_7:
0x16: {  	s25 =	sadd.s32 $0x1, s25  }
0x17: {  	p0 =	sne.s32 s25, s9  }
.Ltmp1:
0x18: {  	_ = 	snop;
	(pc) =	sbr.rel @!p0 .LBB2_8-.Ltmp1, $1  }
0x19: {  	_ =	sdelay $0x3  }
.LBB2_1:
0x1a: {  	[tilespmem:s3], [sflag:$0x5] =	stream.linear.gather [hbm4b:s5+s3], $0x80, $0x38;
	[tilespmem:$0x10200] =	vst v63  }
0x1b: {  	_ =	swait.ge [sflag:s15], $0x80  }
0x1c: {  	[sflag:s15] =	ssyncset.done $0x0  }
0x1d: {  	[sflag:s15] =	ssyncadd.s32 $0xFFFFFF80  }
0x1e: {  	[tilespmem:s17], [sflag:$0x1] =	stream.indirect.gather [hbm4b:s1+s16], $0x80, s3, s16, $0xb8;
	[tilespmem:$0x10200] =	vst v63  }
0x1f: {  	_ = 	snop  }
0x20: {  	[tilespmem:s16], [sflag:$0x5] =	stream.linear.gather [hbm4b:s6+s3], $0x80, $0x38;
	[tilespmem:$0x10200] =	vst v63  }
0x21: {  	_ =	swait.ge [sflag:s15], $0x80  }
0x22: {  	[sflag:s15] =	ssyncset.done $0x0  }
0x23: {  	[sflag:s15] =	ssyncadd.s32 $0xFFFFFF80  }
0x24: {  	[tilespmem:s18], [sflag:$0x2] =	stream.indirect.gather [hbm4b:s1+s16], $0x80, s16, s16, $0xb8;
	[tilespmem:$0x10200] =	vst v63  }
0x25: {  	_ = 	snop  }
0x26: {  	[tilespmem:s19], [sflag:$0x5] =	stream.linear.gather [hbm4b:s7+s3], $0x80, $0x38;
	[tilespmem:$0x10200] =	vst v63  }
.Ltmp2:
0x27: {  	_ = 	snop;
	(pc) =	sbr.rel .LBB2_2-.Ltmp2, $4  }
0x28: {  	_ =	swait.ge [sflag:s15], $0x80  }
0x29: {  	s26 =	smov.u32 s4;
	[sflag:s15] =	ssyncset.done $0x0  }
0x2a: {  	s28 =	smov.u32 s13;
	s29 =	simm.s32 $0x0;
	[sflag:s15] =	ssyncadd.s32 $0xFFFFFF80  }
0x2b: {  	[tilespmem:s20], [sflag:$0x3] =	stream.indirect.gather [hbm4b:s1+s16], $0x80, s19, s16, $0xb8;
	[tilespmem:$0x10200] =	vst v63  }
.LBB2_3:
0x2c: {  	s2 =	sadd.s32 s29, s11  }
0x2d: {  	[tilespmem:s16], [sflag:$0x5] =	stream.linear.gather [hbm4b:s2+s3], $0x80, $0x38;
	[tilespmem:$0x10200] =	vst v63  }
0x2e: {  	_ =	swait.ge [sflag:s15], $0x80  }
0x2f: {  	[sflag:s15] =	ssyncset.done $0x0  }
0x30: {  	[sflag:s15] =	ssyncadd.s32 $0xFFFFFF80  }
0x31: {  	[tilespmem:s18], [sflag:$0x2] =	stream.indirect.gather [hbm4b:s1+s16], $0x80, s16, s16, $0xb8;
	[tilespmem:$0x10200] =	vst v63  }
.LBB2_5:
0x32: {  	_ =	swait.ge [sflag:s23], $0x4000  }
0x33: {  	[sflag:s23] =	ssyncset.done $0x0  }
0x34: {  	s2 =	sadd.s32 $0x30000, s28;
	[sflag:s23] =	ssyncadd.s32 $0xFFFFC000  }
0x35: {  	[hbm4b:s2+s3] =	stream.linear.scatter [tilespmem:s24], [sflag:$0x5], $0x4000, $0x38;
	[tilespmem:$0x10200] =	vst v63  }
0x36: {  	p0 =	sgt.u32 s26, $0x903;
	_ =	swait.ge [sflag:s15], $0x4000  }
0x37: {  	s30 =	simm.s32 @!p0 $0x0;
	[sflag:s15] =	ssyncset.done $0x0  }
0x38: {  	s31 =	simm.s32 @!p0 $0x100;
	s2 =	sadd.s32 @!p0 s29, s10;
	[sflag:s15] =	ssyncadd.s32 $0xFFFFC000  }
0x39: {  	[tilespmem:s31], [sflag:$0x5] =	stream.linear.gather @!p0 [hbm4b:s2+s30], $0x80, $0x38;
	[tilespmem:$0x10200] =	vst v63  }
0x3a: {  	s2 =	simm.s32 @!p0 $0x5  }
0x3b: {  	_ =	swait.ge @!p0 [sflag:s2], $0x80  }
0x3c: {  	[sflag:s2] =	ssyncset.done @!p0 $0x0  }
0x3d: {  	s30 =	simm.s32 @!p0 $0x8200;
	[sflag:s2] =	ssyncadd.s32 @!p0 $0xFFFFFF80;
	s2 =	simm.s32 @!p0 $0x80  }
0x3e: {  	[tilespmem:s30], [sflag:$0x3] =	stream.indirect.gather @!p0 [hbm4b:s1+s2], $0x80, s31, s2, $0xb8;
	[tilespmem:$0x10200] =	vst v63  }
.LBB2_6:
0x3f: {  	s29 =	sadd.s32 $0x800, s29  }
0x40: {  	p0 =	sne.s32 s29, $0xA000  }
.Ltmp3:
0x41: {  	_ = 	snop;
	(pc) =	sbr.rel @!p0 .LBB2_7-.Ltmp3, $2  }
0x42: {  	_ =	sdelay $0x2  }
0x43: {  	s28 =	sadd.s32 $0x40000, s28;
	s26 =	sadd.s32 $0x80, s26  }
.LBB2_2:
0x44: {  	_ =	swait.ge [sflag:s21], $0x4000  }
0x45: {  	[sflag:s21] =	ssyncset.done $0x0  }
0x46: {  	s30 =	sadd.s32 $0x60, s26;
	[sflag:s21] =	ssyncadd.s32 $0xFFFFC000  }
0x47: {  	[hbm4b:s28+s3] =	stream.linear.scatter [tilespmem:s17], [sflag:$0x5], $0x4000, $0x38;
	[tilespmem:$0x10200] =	vst v63  }
0x48: {  	p0 =	sgt.u32 s30, $0x9C3;
	_ =	swait.ge [sflag:s15], $0x4000  }
0x49: {  	s30 =	sadd.s32 @!p0 s29, s14;
	[sflag:s15] =	ssyncset.done $0x0  }
0x4a: {  	s31 =	simm.s32 @!p0 $0x0;
	s2 =	simm.s32 @!p0 $0x180;
	[sflag:s15] =	ssyncadd.s32 $0xFFFFC000  }
0x4b: {  	[tilespmem:s2], [sflag:$0x5] =	stream.linear.gather @!p0 [hbm4b:s30+s31], $0x80, $0x38;
	[tilespmem:$0x10200] =	vst v63  }
0x4c: {  	s30 =	simm.s32 @!p0 $0x5  }
0x4d: {  	_ =	swait.ge @!p0 [sflag:s30], $0x80  }
0x4e: {  	[sflag:s30] =	ssyncset.done @!p0 $0x0  }
0x4f: {  	s31 =	simm.s32 @!p0 $0xC200;
	[sflag:s30] =	ssyncadd.s32 @!p0 $0xFFFFFF80;
	s30 =	simm.s32 @!p0 $0x80  }
0x50: {  	[tilespmem:s31], [sflag:$0x4] =	stream.indirect.gather @!p0 [hbm4b:s1+s30], $0x80, s2, s30, $0xb8;
	[tilespmem:$0x10200] =	vst v63  }
0x51: {  	_ =	swait.ge [sflag:s22], $0x4000  }
0x52: {  	[sflag:s22] =	ssyncset.done $0x0  }
0x53: {  	p1 =	sgt.u32 s26, $0x943;
	s30 =	sadd.s32 $0x10000, s28;
	[sflag:s22] =	ssyncadd.s32 $0xFFFFC000  }
0x54: {  	[hbm4b:s30+s3] =	stream.linear.scatter [tilespmem:s18], [sflag:$0x5], $0x4000, $0x38;
	[tilespmem:$0x10200] =	vst v63  }
0x55: {  	s2 =	sadd.s32 @!p1 s29, s12;
	_ =	swait.ge [sflag:s15], $0x4000  }
0x56: {  	s2 =	sand.u32 @!p1 $0x1FF80, s2;
	[sflag:s15] =	ssyncset.done $0x0  }
0x57: {  	s2 =	sadd.s32 @!p1 s2, s8;
	s30 =	simm.s32 @!p1 $0x0;
	[sflag:s15] =	ssyncadd.s32 $0xFFFFC000  }
0x58: {  	[tilespmem:s30], [sflag:$0x5] =	stream.linear.gather @!p1 [hbm4b:s2+s30], $0x80, $0x38;
	[tilespmem:$0x10200] =	vst v63  }
0x59: {  	s2 =	simm.s32 @!p1 $0x5  }
0x5a: {  	_ =	swait.ge @!p1 [sflag:s2], $0x80  }
0x5b: {  	[sflag:s2] =	ssyncset.done @!p1 $0x0  }
0x5c: {  	s31 =	simm.s32 @!p1 $0x200;
	[sflag:s2] =	ssyncadd.s32 @!p1 $0xFFFFFF80;
	s2 =	simm.s32 @!p1 $0x80  }
0x5d: {  	[tilespmem:s31], [sflag:$0x1] =	stream.indirect.gather @!p1 [hbm4b:s1+s2], $0x80, s30, s2, $0xb8;
	[tilespmem:$0x10200] =	vst v63  }
0x5e: {  	s31 =	sadd.s32 $0x40, s26  }
0x5f: {  	p1 =	sgt.u32 s31, $0x9C3  }
0x60: {  	s2 =	simm.s32 @!p1 $0x3  }
0x61: {  	s30 =	simm.s32 @!p1 $0x0;
	_ =	swait.ge @!p1 [sflag:s2], $0x4000  }
0x62: {  	s31 =	simm.s32 @!p1 $0x8200;
	p2 =	sgt.u32 @!p1 s26, $0x923;
	[sflag:s2] =	ssyncset.done @!p1 $0x0  }
0x63: {  	p2 =	por p1, p2;
	[sflag:s2] =	ssyncadd.s32 @!p1 $0xFFFFC000;
	s2 =	sadd.s32 @!p1 $0x20000, s28  }
0x64: {  	[hbm4b:s2+s30] =	stream.linear.scatter @!p1 [tilespmem:s31], [sflag:$0x5], $0x4000, $0x38;
	[tilespmem:$0x10200] =	vst v63  }
.Ltmp4:
0x65: {  	_ = 	snop;
	(pc) =	sbr.rel @!p2 .LBB2_3-.Ltmp4, $4  }
0x66: {  	s2 =	simm.s32 @!p1 $0x5  }
0x67: {  	_ =	swait.ge @!p1 [sflag:s2], $0x4000  }
0x68: {  	[sflag:s2] =	ssyncset.done @!p1 $0x0  }
0x69: {  	[sflag:s2] =	ssyncadd.s32 @!p1 $0xFFFFC000  }
.Ltmp5:
0x6a: {  	(pc) =	sbr.rel @p0 .LBB2_6-.Ltmp5, $4  }
.Ltmp6:
0x6b: {  	(pc) =	sbr.rel @!p0 .LBB2_5-.Ltmp6, $4  }
0x6c: {  	_ = 	snop  }
0x6d: {  	_ = 	snop  }
0x6e: {  	_ = 	snop  }
0x6f: {  	_ = 	snop  }
.LBB2_8:
0x70: {  	_ =	sfence.sel $0x180000  }
0x71: {  	[bflag:$0x0] =	sbarrier.arrive $0xFFFF  }
0x72: {  	_ =	strace $0x90000047  }
0x73: {  	[bflag:$0x2] =	sbarrier.arrive $0xFFFF  }
0x74: {  	p0 =	sne.s32 s0, $0x0;
	s0 =	rddreg [dreg:$0x3]  }
0x75: {  	s0 =	sadd.s32 @!p0 $0x100000, s0  }
0x76: {  	[sflag:s0] =	ssyncadd.tile.s32 @!p0 $0x1;
	_ =	shalt  }
.Lfunc_end2:
_tile_overlayer_lowered:
.L_overlay_start_2:
0x77: {  	(tag) =	ssettag $0x2  }
0x78: {  	s0 =	rddreg [dreg:$0x0];
	s2 =	stileid.u32  }
0x79: {  	s1 =	rddreg [dreg:$0x1];
	p0 =	sne.s32 s2, $0x0  }
0x7a: {  	s3 =	rddreg [dreg:$0x2];
	[bflag:$0x3] =	sbarrier.arrive $0xFFFF;
	s2 =	simm.s32 @!p0 $0x1C05  }
0x7b: {  	[timem:s3], [sflag:s2] =	dma.local @!p0 [hbm:s0], s1  }
0x7c: {  	s0 =	simm.s32 @!p0 $0x5  }
0x7d: {  	_ =	swait.ge @!p0 [sflag:s0], s1  }
0x7e: {  	s1 =	ssub.s32 @!p0 $0x0, s1;
	[sflag:s0] =	ssyncset.done @!p0 $0x0  }
0x7f: {  	[sflag:s0] =	ssyncadd.s32 @!p0 s1  }
0x80: {  	[bflag:$0x3] =	sbarrier.arrive $0xFFFF  }
0x81: {  	_ =	shalt  }

</sc_bundles>
